<compile_context>
chip_gen: v7x
topology: tpu7x:2x2x1
jax: 0.10.2.dev20260603
libtpu: 0.0.44.dev20260713+nightly
codegen_flags: <defaults>
</compile_context>

<pallas_src>
import functools

import numpy as np

import jax
import jax.numpy as jnp
from jax import lax
from jax.experimental import pallas as pl
from jax.experimental.pallas import tpu as pltpu
from jax.experimental.pallas import tpu_sc as plsc

_N, _F, _D, _C, _E = 10000, 128, 32, 16, 320000
_NC, _NS = 2, 16
_NW = _NC * _NS
_EPW = _E // _NW
_CE = 1000
_NCH = _EPW // _CE
_NP = 10240
_NPT = _NP // _NS
_RC = 128
_ZCH = _NPT // _RC
_BN_S = float(1.0 / np.sqrt(1.0 + 1e-5))
_PREC = lax.Precision.DEFAULT


def _sc_agg_body(table, srcr, dstr, out, src_v, dst_v, rows0, rows1, zbuf,
                 sem0, sem1, acc):
    c = lax.axis_index("c")
    s = lax.axis_index("s")
    wid = s * _NC + c
    idx_cp0 = pltpu.make_async_copy(srcr.at[wid], src_v, sem0)
    idx_cp1 = pltpu.make_async_copy(dstr.at[wid], dst_v, sem1)
    idx_cp0.start()
    idx_cp1.start()

    def zstore(i, _):
        zbuf[i, pl.ds(0, 16)] = jnp.zeros((16,), jnp.float32)
        zbuf[i, pl.ds(16, 16)] = jnp.zeros((16,), jnp.float32)
        return 0

    lax.fori_loop(0, _RC, zstore, 0)
    for z in range(_ZCH):
        pltpu.sync_copy(zbuf, acc.at[pl.ds(s * _NPT + z * _RC, _RC)])
    idx_cp0.wait()
    idx_cp1.wait()
    plsc.subcore_barrier()

    def g_start(j, buf, sem):
        pltpu.make_async_copy(table.at[src_v.at[j]], buf, sem).start()

    def g_wait(j, buf, sem):
        pltpu.make_async_copy(table.at[src_v.at[j]], buf, sem).wait()

    def scat(j, buf):
        pltpu.sync_copy(buf, acc.at[dst_v.at[j]], add=True)

    g_start(0, rows0, sem0)
    g_start(1, rows1, sem1)

    def body(t, _):
        j0 = 2 * t
        j1 = 2 * t + 1
        g_wait(j0, rows0, sem0)
        scat(j0, rows0)
        g_start(j0 + 2, rows0, sem0)
        g_wait(j1, rows1, sem1)
        scat(j1, rows1)
        g_start(j1 + 2, rows1, sem1)
        return 0

    lax.fori_loop(0, _NCH // 2 - 1, body, 0)
    g_wait(_NCH - 2, rows0, sem0)
    scat(_NCH - 2, rows0)
    g_wait(_NCH - 1, rows1, sem1)
    scat(_NCH - 1, rows1)

    plsc.subcore_barrier()
    pltpu.sync_copy(acc.at[pl.ds(s * _NPT, _NPT)],
                    out.at[c, pl.ds(s * _NPT, _NPT)])


@functools.lru_cache(maxsize=None)
def _make_sc_agg():
    mesh = plsc.VectorSubcoreMesh(core_axis_name="c", subcore_axis_name="s")
    return functools.partial(
        pl.kernel,
        mesh=mesh,
        compiler_params=pltpu.CompilerParams(use_tc_tiling_on_sc=False),
        out_type=jax.ShapeDtypeStruct((_NC, _NP, _D), jnp.float32),
        scratch_types=[
            pltpu.VMEM((_NCH, _CE), jnp.int32),
            pltpu.VMEM((_NCH, _CE), jnp.int32),
            pltpu.VMEM((_CE, _D), jnp.float32),
            pltpu.VMEM((_CE, _D), jnp.float32),
            pltpu.VMEM((_RC, _D), jnp.float32),
            pltpu.SemaphoreType.DMA,
            pltpu.SemaphoreType.DMA,
            pltpu.VMEM_SHARED((_NP, _D), jnp.float32),
        ],
    )(_sc_agg_body)


_NP4 = _NP // 4
_N4 = _N // 4




def _mm1_body(x_ref, w_ref, o_ref):
    w = w_ref[...]
    for k in range(3):
        o_ref[:, pl.ds(k * _D, _D)] = jnp.dot(
            x_ref[pl.ds(k * _NP4, _NP4), :], w,
            preferred_element_type=jnp.float32, precision=_PREC)
    nlast = _N - 3 * _NP4
    o_ref[pl.ds(0, nlast), pl.ds(3 * _D, _D)] = jnp.dot(
        x_ref[pl.ds(3 * _NP4, nlast), :], w,
        preferred_element_type=jnp.float32, precision=_PREC)


def _mid_body(p_ref, agg_ref, b1a_ref, w1b_ref, b1b_ref, g1_ref, be1_ref,
              w2a_ref, q_ref):
    aggs = agg_ref[...]
    h = p_ref[...] + aggs[0] + aggs[1] + b1a_ref[...]
    h = jnp.maximum(h, 0.0)
    h = jnp.dot(h, w1b_ref[...], preferred_element_type=jnp.float32,
                precision=_PREC) + b1b_ref[...]
    h = jnp.maximum(h, 0.0)
    t = h * (_BN_S * g1_ref[...]) + be1_ref[...]
    q_ref[...] = jnp.dot(t, w2a_ref[...], preferred_element_type=jnp.float32,
                         precision=_PREC)


def _fin_body(q_ref, agg_ref, b2a_ref, w2b_ref, b2b_ref, g2_ref, be2_ref,
              wf1_ref, bf1_ref, wf2_ref, bf2_ref, o_ref):
    aggs = agg_ref[...]
    h = q_ref[...] + aggs[0] + aggs[1] + b2a_ref[...]
    h = jnp.maximum(h, 0.0)
    h = jnp.maximum(
        jnp.dot(h, w2b_ref[...], preferred_element_type=jnp.float32,
                precision=_PREC) + b2b_ref[...], 0.0)
    u = h * (_BN_S * g2_ref[...]) + be2_ref[...]
    h = jnp.maximum(
        jnp.dot(u, wf1_ref[...], preferred_element_type=jnp.float32,
                precision=_PREC) + bf1_ref[...], 0.0)
    z4 = jnp.dot(h, wf2_ref[...], preferred_element_type=jnp.float32,
                 precision=_PREC) + bf2_ref[...]
    nlast = _N - 3 * _NP4
    for k in range(4):
        zb = z4[:, k * _C:(k + 1) * _C]
        m = jnp.max(zb, axis=-1, keepdims=True)
        e = zb - m
        lsb = e - jnp.log(jnp.sum(jnp.exp(e), axis=-1, keepdims=True))
        if k < 3:
            o_ref[pl.ds(k * _NP4, _NP4), :] = lsb
        else:
            o_ref[pl.ds(3 * _NP4, nlast), :] = lsb[:nlast]


def _bd4(w):
    return jnp.kron(jnp.eye(4, dtype=w.dtype), w)


def kernel(x, edge_index, W1a, b1a, W1b, b1b, g1, be1, W2a, b2a, W2b, b2b,
           g2, be2, Wf1, bf1, Wf2, bf2):
    perm = (edge_index % _NP4) * 4 + edge_index // _NP4
    srcr = perm[0].reshape(_NW, _NCH, _CE)
    dstr = perm[1].reshape(_NW, _NCH, _CE)
    sc_agg = _make_sc_agg()

    p4 = pl.pallas_call(
        _mm1_body,
        out_shape=jax.ShapeDtypeStruct((_NP4, 4 * _D), jnp.float32))(x, W1a)
    agg1 = sc_agg(p4.reshape(_NP, _D), srcr, dstr)
    q4 = pl.pallas_call(
        _mid_body,
        out_shape=jax.ShapeDtypeStruct((_NP4, 4 * _D), jnp.float32))(
            p4, agg1.reshape(_NC, _NP4, 4 * _D),
            jnp.tile(b1a, 4).reshape(1, 4 * _D), _bd4(W1b),
            jnp.tile(b1b, 4).reshape(1, 4 * _D),
            jnp.tile(g1, 4).reshape(1, 4 * _D),
            jnp.tile(be1, 4).reshape(1, 4 * _D), _bd4(W2a))
    agg2 = sc_agg(q4.reshape(_NP, _D), srcr, dstr)
    out = pl.pallas_call(
        _fin_body,
        out_shape=jax.ShapeDtypeStruct((_N, _C), jnp.float32))(
            q4, agg2.reshape(_NC, _NP4, 4 * _D),
            jnp.tile(b2a, 4).reshape(1, 4 * _D), _bd4(W2b),
            jnp.tile(b2b, 4).reshape(1, 4 * _D),
            jnp.tile(g2, 4).reshape(1, 4 * _D),
            jnp.tile(be2, 4).reshape(1, 4 * _D), _bd4(Wf1),
            jnp.tile(bf1, 4).reshape(1, 4 * _D), _bd4(Wf2),
            jnp.tile(bf2, 4).reshape(1, 4 * _C))
    return out

# --- scband reference (transcript-rebuilt; emitter-appended) ---
"""Pipeline reference for scband-ginconv-net-3375844295352 (READ-ONLY COPY).

The authoritative reference and input builder live on the scoring server;
editing this copy changes nothing except your own understanding.
"""

import jax, jax.numpy as jnp
import numpy as np

N, F, D, C, E = 10000, 128, 32, 16, 320000

def setup_inputs(seed: int = 0):
    key = jax.random.key(seed)
    ks = jax.random.split(key, 16)
    def lin(k, fi, fo):
        return jax.random.normal(k, (fi, fo), dtype=jnp.float32) / np.sqrt(fi)
    inp = {}
    inp["x"] = jax.random.normal(ks[0], (N, F), dtype=jnp.float32)
    inp["edge_index"] = jax.random.randint(ks[1], (2, E), 0, N, dtype=jnp.int32)
    inp["W1a"] = lin(ks[2], F, D); inp["b1a"] = jnp.zeros((D,), jnp.float32)
    inp["W1b"] = lin(ks[3], D, D); inp["b1b"] = jnp.zeros((D,), jnp.float32)
    inp["g1"] = jnp.ones((D,), jnp.float32); inp["be1"] = jnp.zeros((D,), jnp.float32)
    inp["W2a"] = lin(ks[4], D, D); inp["b2a"] = jnp.zeros((D,), jnp.float32)
    inp["W2b"] = lin(ks[5], D, D); inp["b2b"] = jnp.zeros((D,), jnp.float32)
    inp["g2"] = jnp.ones((D,), jnp.float32); inp["be2"] = jnp.zeros((D,), jnp.float32)
    inp["Wf1"] = lin(ks[6], D, D); inp["bf1"] = jnp.zeros((D,), jnp.float32)
    inp["Wf2"] = lin(ks[7], D, C); inp["bf2"] = jnp.zeros((C,), jnp.float32)
    return inp

def _bn_eval(h, g, b):
    # BatchNorm1d in eval mode with running_mean=0, running_var=1
    return (h - 0.0) / jnp.sqrt(1.0 + 1e-5) * g + b

def _gin(x, src, dst, Wa, ba, Wb, bb):
    # GINConv with eps=0: nn((1+eps)*x + sum_{j in N(i)} x_j)
    agg = jnp.zeros_like(x).at[dst].add(x[src])
    h = x + agg
    h = jnp.maximum(h @ Wa + ba, 0.0)
    return h @ Wb + bb

def reference(x, edge_index, W1a, b1a, W1b, b1b, g1, be1, W2a, b2a, W2b, b2b, g2, be2, Wf1, bf1, Wf2, bf2):
    src, dst = edge_index[0], edge_index[1]
    h = jnp.maximum(_gin(x, src, dst, W1a, b1a, W1b, b1b), 0.0)
    h = _bn_eval(h, g1, be1)
    h = jnp.maximum(_gin(h, src, dst, W2a, b2a, W2b, b2b), 0.0)
    h = _bn_eval(h, g2, be2)
    h = jnp.maximum(h @ Wf1 + bf1, 0.0)
    # dropout is identity in eval mode
    h = h @ Wf2 + bf2
    return jax.nn.log_softmax(h, axis=-1)

if __name__ == "__main__":
    import jax
    _d = setup_inputs()
    print(jax.jit(kernel)(*tuple(_d.values())))

</pallas_src>

<mosaic_0001>
#map = affine_map<(d0, d1) -> (0, 0)>
#map1 = affine_map<(d0, d1) -> (0, 0, 0)>
module attributes {stable_mosaic.version = 14 : i64} {
  func.func @_sc_agg_body(%arg0: i32, %arg1: i32, %arg2: memref<10240x32xf32, #tpu.memory_space<hbm>>, %arg3: memref<32x10x1000xi32, #tpu.memory_space<hbm>>, %arg4: memref<32x10x1000xi32, #tpu.memory_space<hbm>>, %arg5: memref<2x10240x32xf32, #tpu.memory_space<hbm>>, %arg6: memref<10x1000xi32, #tpu.memory_space<vmem>>, %arg7: memref<10x1000xi32, #tpu.memory_space<vmem>>, %arg8: memref<1000x32xf32, #tpu.memory_space<vmem>>, %arg9: memref<1000x32xf32, #tpu.memory_space<vmem>>, %arg10: memref<128x32xf32, #tpu.memory_space<vmem>>, %arg11: memref<!tpu.dma_semaphore, #tpu.memory_space<semaphore_mem>>, %arg12: memref<!tpu.dma_semaphore, #tpu.memory_space<semaphore_mem>>, %arg13: memref<10240x32xf32, #tpu.memory_space<vmem_shared>>) attributes {dimension_semantics = [#tpu.dimension_semantics<core_parallel>, #tpu.dimension_semantics<subcore_parallel>], iteration_bounds = array<i64: 2, 16>, scalar_prefetch = 0 : i64, scratch_operands = 8 : i64, tpu.core_type = #tpu.core_type<sc_vector_subcore>, window_params = [{transform_indices = #map}, {transform_indices = #map1}, {transform_indices = #map1}, {transform_indices = #map1}]} {
    %mul3A = arith.constant 2 : i32
    %mul3A_0 = arith.muli %arg1, %mul3A : i32
    %add3A = arith.addi %mul3A_0, %arg0 : i32
    %dma_start3A = arith.constant 0 : i32
    %dma_start3A_1 = arith.constant 0 : i32
    %dma_start3A_2 = tpu.memref_slice %arg3[%add3A, %dma_start3A, %dma_start3A_1] : memref<32x10x1000xi32, #tpu.memory_space<hbm>> -> memref<1x10x1000xi32, #tpu.memory_space<hbm>>
    %dma_start3A_3 = tpu.memref_squeeze %dma_start3A_2 : memref<1x10x1000xi32, #tpu.memory_space<hbm>> -> memref<10x1000xi32, #tpu.memory_space<hbm>>
    %dma_start3A_4 = arith.constant 0 : i32
    %dma_start3A_5 = arith.constant 0 : i32
    %dma_start3A_6 = tpu.memref_slice %arg3[%add3A, %dma_start3A_4, %dma_start3A_5] : memref<32x10x1000xi32, #tpu.memory_space<hbm>> -> memref<1x10x1000xi32, #tpu.memory_space<hbm>>
    %dma_start3A_7 = tpu.memref_squeeze %dma_start3A_6 : memref<1x10x1000xi32, #tpu.memory_space<hbm>> -> memref<10x1000xi32, #tpu.memory_space<hbm>>
    tpu.enqueue_dma source(%dma_start3A_7 : memref<10x1000xi32, #tpu.memory_space<hbm>>) target(%arg6 : memref<10x1000xi32, #tpu.memory_space<vmem>>) target_semaphore(%arg11 : memref<!tpu.dma_semaphore, #tpu.memory_space<semaphore_mem>>)
    %dma_start3A_8 = arith.constant 0 : i32
    %dma_start3A_9 = arith.constant 0 : i32
    %dma_start3A_10 = tpu.memref_slice %arg4[%add3A, %dma_start3A_8, %dma_start3A_9] : memref<32x10x1000xi32, #tpu.memory_space<hbm>> -> memref<1x10x1000xi32, #tpu.memory_space<hbm>>
    %dma_start3A_11 = tpu.memref_squeeze %dma_start3A_10 : memref<1x10x1000xi32, #tpu.memory_space<hbm>> -> memref<10x1000xi32, #tpu.memory_space<hbm>>
    %dma_start3A_12 = arith.constant 0 : i32
    %dma_start3A_13 = arith.constant 0 : i32
    %dma_start3A_14 = tpu.memref_slice %arg4[%add3A, %dma_start3A_12, %dma_start3A_13] : memref<32x10x1000xi32, #tpu.memory_space<hbm>> -> memref<1x10x1000xi32, #tpu.memory_space<hbm>>
    %dma_start3A_15 = tpu.memref_squeeze %dma_start3A_14 : memref<1x10x1000xi32, #tpu.memory_space<hbm>> -> memref<10x1000xi32, #tpu.memory_space<hbm>>
    tpu.enqueue_dma source(%dma_start3A_15 : memref<10x1000xi32, #tpu.memory_space<hbm>>) target(%arg7 : memref<10x1000xi32, #tpu.memory_space<vmem>>) target_semaphore(%arg12 : memref<!tpu.dma_semaphore, #tpu.memory_space<semaphore_mem>>)
    %scan3A = arith.constant 0 : i32
    %scan3A_16 = arith.constant 0 : i32
    %scan3A_17 = arith.constant 128 : i32
    %scan3A_18 = arith.addi %scan3A_16, %scan3A_17 : i32
    %scan3A_19 = arith.constant 1 : i32
    %scan3A_20 = scf.for %scan3A_98 = %scan3A_16 to %scan3A_18 step %scan3A_19 iter_args(%scan3A_99 = %scan3A) -> (i32)  : i32 {
      %broadcast_in_dim3A = arith.constant 0.000000e+00 : f32
      %broadcast_in_dim3A_100 = vector.broadcast %broadcast_in_dim3A : f32 to vector<16xf32>
      %swap3A = arith.index_cast %scan3A_98 : i32 to index
      %swap3A_101 = arith.constant 0 : index
      %swap3A_102 = tpu.vector_load %arg10[%swap3A, %swap3A_101] {strides = array<i32>} : memref<128x32xf32, #tpu.memory_space<vmem>>, vector<1x16xf32>,
      %swap3A_103 = vector.shape_cast %swap3A_102 : vector<1x16xf32> to vector<16xf32>
      %swap3A_104 = vector.shape_cast %broadcast_in_dim3A_100 : vector<16xf32> to vector<1x16xf32>
      tpu.vector_store %arg10[%swap3A, %swap3A_101], %swap3A_104 {strides = array<i32>} : memref<128x32xf32, #tpu.memory_space<vmem>>, vector<1x16xf32>,
      %broadcast_in_dim3A_105 = arith.constant 0.000000e+00 : f32
      %broadcast_in_dim3A_106 = vector.broadcast %broadcast_in_dim3A_105 : f32 to vector<16xf32>
      %swap3A_107 = arith.index_cast %scan3A_98 : i32 to index
      %swap3A_108 = arith.constant 16 : index
      %swap3A_109 = tpu.vector_load %arg10[%swap3A_107, %swap3A_108] {strides = array<i32>} : memref<128x32xf32, #tpu.memory_space<vmem>>, vector<1x16xf32>,
      %swap3A_110 = vector.shape_cast %swap3A_109 : vector<1x16xf32> to vector<16xf32>
      %swap3A_111 = vector.shape_cast %broadcast_in_dim3A_106 : vector<16xf32> to vector<1x16xf32>
      tpu.vector_store %arg10[%swap3A_107, %swap3A_108], %swap3A_111 {strides = array<i32>} : memref<128x32xf32, #tpu.memory_space<vmem>>, vector<1x16xf32>,
      %scan3A_112 = arith.constant 0 : i32
      scf.yield %scan3A_112 : i32
    }
    %scan3A_21 = arith.constant 128 : i32
    %mul3A_22 = arith.constant 640 : i32
    %mul3A_23 = arith.muli %arg1, %mul3A_22 : i32
    %add3A_24 = arith.constant 0 : i32
    %add3A_25 = arith.addi %mul3A_23, %add3A_24 : i32
    "tpu.region"() ({
      %run_scoped3A_98 = tpu.sem_alloc : memref<!tpu.dma_semaphore, #tpu.memory_space<semaphore_mem>>
      %dma_start3A_99 = arith.constant 0 : i32
      %dma_start3A_100 = tpu.memref_slice %arg13[%add3A_25, %dma_start3A_99] : memref<10240x32xf32, #tpu.memory_space<vmem_shared>> -> memref<128x32xf32, #tpu.memory_space<vmem_shared>>
      %dma_start3A_101 = arith.constant 0 : i32
      %dma_start3A_102 = tpu.memref_slice %arg13[%add3A_25, %dma_start3A_101] : memref<10240x32xf32, #tpu.memory_space<vmem_shared>> -> memref<128x32xf32, #tpu.memory_space<vmem_shared>>
      tpu.enqueue_dma source(%arg10 : memref<128x32xf32, #tpu.memory_space<vmem>>) target(%dma_start3A_102 : memref<128x32xf32, #tpu.memory_space<vmem_shared>>) target_semaphore(%run_scoped3A_98 : memref<!tpu.dma_semaphore, #tpu.memory_space<semaphore_mem>>)
      %dma_wait3A_103 = arith.constant 0 : i32
      %dma_wait3A_104 = tpu.memref_slice %arg13[%add3A_25, %dma_wait3A_103] : memref<10240x32xf32, #tpu.memory_space<vmem_shared>> -> memref<128x32xf32, #tpu.memory_space<vmem_shared>>
      %dma_wait3A_105 = arith.constant 0 : i32
      %dma_wait3A_106 = tpu.memref_slice %arg13[%add3A_25, %dma_wait3A_105] : memref<10240x32xf32, #tpu.memory_space<vmem_shared>> -> memref<128x32xf32, #tpu.memory_space<vmem_shared>>
      tpu.wait_dma2 semaphore(%run_scoped3A_98 : memref<!tpu.dma_semaphore, #tpu.memory_space<semaphore_mem>>) src(%arg10 : memref<128x32xf32, #tpu.memory_space<vmem>>) dst(%dma_wait3A_106 : memref<128x32xf32, #tpu.memory_space<vmem_shared>>)
      tpu.yield
    }) : () -> ()
    %mul3A_26 = arith.constant 640 : i32
    %mul3A_27 = arith.muli %arg1, %mul3A_26 : i32
    %add3A_28 = arith.constant 128 : i32
    %add3A_29 = arith.addi %mul3A_27, %add3A_28 : i32
    "tpu.region"() ({
      %run_scoped3A_98 = tpu.sem_alloc : memref<!tpu.dma_semaphore, #tpu.memory_space<semaphore_mem>>
      %dma_start3A_99 = arith.constant 0 : i32
      %dma_start3A_100 = tpu.memref_slice %arg13[%add3A_29, %dma_start3A_99] : memref<10240x32xf32, #tpu.memory_space<vmem_shared>> -> memref<128x32xf32, #tpu.memory_space<vmem_shared>>
      %dma_start3A_101 = arith.constant 0 : i32
      %dma_start3A_102 = tpu.memref_slice %arg13[%add3A_29, %dma_start3A_101] : memref<10240x32xf32, #tpu.memory_space<vmem_shared>> -> memref<128x32xf32, #tpu.memory_space<vmem_shared>>
      tpu.enqueue_dma source(%arg10 : memref<128x32xf32, #tpu.memory_space<vmem>>) target(%dma_start3A_102 : memref<128x32xf32, #tpu.memory_space<vmem_shared>>) target_semaphore(%run_scoped3A_98 : memref<!tpu.dma_semaphore, #tpu.memory_space<semaphore_mem>>)
      %dma_wait3A_103 = arith.constant 0 : i32
      %dma_wait3A_104 = tpu.memref_slice %arg13[%add3A_29, %dma_wait3A_103] : memref<10240x32xf32, #tpu.memory_space<vmem_shared>> -> memref<128x32xf32, #tpu.memory_space<vmem_shared>>
      %dma_wait3A_105 = arith.constant 0 : i32
      %dma_wait3A_106 = tpu.memref_slice %arg13[%add3A_29, %dma_wait3A_105] : memref<10240x32xf32, #tpu.memory_space<vmem_shared>> -> memref<128x32xf32, #tpu.memory_space<vmem_shared>>
      tpu.wait_dma2 semaphore(%run_scoped3A_98 : memref<!tpu.dma_semaphore, #tpu.memory_space<semaphore_mem>>) src(%arg10 : memref<128x32xf32, #tpu.memory_space<vmem>>) dst(%dma_wait3A_106 : memref<128x32xf32, #tpu.memory_space<vmem_shared>>)
      tpu.yield
    }) : () -> ()
    %mul3A_30 = arith.constant 640 : i32
    %mul3A_31 = arith.muli %arg1, %mul3A_30 : i32
    %add3A_32 = arith.constant 256 : i32
    %add3A_33 = arith.addi %mul3A_31, %add3A_32 : i32
    "tpu.region"() ({
      %run_scoped3A_98 = tpu.sem_alloc : memref<!tpu.dma_semaphore, #tpu.memory_space<semaphore_mem>>
      %dma_start3A_99 = arith.constant 0 : i32
      %dma_start3A_100 = tpu.memref_slice %arg13[%add3A_33, %dma_start3A_99] : memref<10240x32xf32, #tpu.memory_space<vmem_shared>> -> memref<128x32xf32, #tpu.memory_space<vmem_shared>>
      %dma_start3A_101 = arith.constant 0 : i32
      %dma_start3A_102 = tpu.memref_slice %arg13[%add3A_33, %dma_start3A_101] : memref<10240x32xf32, #tpu.memory_space<vmem_shared>> -> memref<128x32xf32, #tpu.memory_space<vmem_shared>>
      tpu.enqueue_dma source(%arg10 : memref<128x32xf32, #tpu.memory_space<vmem>>) target(%dma_start3A_102 : memref<128x32xf32, #tpu.memory_space<vmem_shared>>) target_semaphore(%run_scoped3A_98 : memref<!tpu.dma_semaphore, #tpu.memory_space<semaphore_mem>>)
      %dma_wait3A_103 = arith.constant 0 : i32
      %dma_wait3A_104 = tpu.memref_slice %arg13[%add3A_33, %dma_wait3A_103] : memref<10240x32xf32, #tpu.memory_space<vmem_shared>> -> memref<128x32xf32, #tpu.memory_space<vmem_shared>>
      %dma_wait3A_105 = arith.constant 0 : i32
      %dma_wait3A_106 = tpu.memref_slice %arg13[%add3A_33, %dma_wait3A_105] : memref<10240x32xf32, #tpu.memory_space<vmem_shared>> -> memref<128x32xf32, #tpu.memory_space<vmem_shared>>
      tpu.wait_dma2 semaphore(%run_scoped3A_98 : memref<!tpu.dma_semaphore, #tpu.memory_space<semaphore_mem>>) src(%arg10 : memref<128x32xf32, #tpu.memory_space<vmem>>) dst(%dma_wait3A_106 : memref<128x32xf32, #tpu.memory_space<vmem_shared>>)
      tpu.yield
    }) : () -> ()
    %mul3A_34 = arith.constant 640 : i32
    %mul3A_35 = arith.muli %arg1, %mul3A_34 : i32
    %add3A_36 = arith.constant 384 : i32
    %add3A_37 = arith.addi %mul3A_35, %add3A_36 : i32
    "tpu.region"() ({
      %run_scoped3A_98 = tpu.sem_alloc : memref<!tpu.dma_semaphore, #tpu.memory_space<semaphore_mem>>
      %dma_start3A_99 = arith.constant 0 : i32
      %dma_start3A_100 = tpu.memref_slice %arg13[%add3A_37, %dma_start3A_99] : memref<10240x32xf32, #tpu.memory_space<vmem_shared>> -> memref<128x32xf32, #tpu.memory_space<vmem_shared>>
      %dma_start3A_101 = arith.constant 0 : i32
      %dma_start3A_102 = tpu.memref_slice %arg13[%add3A_37, %dma_start3A_101] : memref<10240x32xf32, #tpu.memory_space<vmem_shared>> -> memref<128x32xf32, #tpu.memory_space<vmem_shared>>
      tpu.enqueue_dma source(%arg10 : memref<128x32xf32, #tpu.memory_space<vmem>>) target(%dma_start3A_102 : memref<128x32xf32, #tpu.memory_space<vmem_shared>>) target_semaphore(%run_scoped3A_98 : memref<!tpu.dma_semaphore, #tpu.memory_space<semaphore_mem>>)
      %dma_wait3A_103 = arith.constant 0 : i32
      %dma_wait3A_104 = tpu.memref_slice %arg13[%add3A_37, %dma_wait3A_103] : memref<10240x32xf32, #tpu.memory_space<vmem_shared>> -> memref<128x32xf32, #tpu.memory_space<vmem_shared>>
      %dma_wait3A_105 = arith.constant 0 : i32
      %dma_wait3A_106 = tpu.memref_slice %arg13[%add3A_37, %dma_wait3A_105] : memref<10240x32xf32, #tpu.memory_space<vmem_shared>> -> memref<128x32xf32, #tpu.memory_space<vmem_shared>>
      tpu.wait_dma2 semaphore(%run_scoped3A_98 : memref<!tpu.dma_semaphore, #tpu.memory_space<semaphore_mem>>) src(%arg10 : memref<128x32xf32, #tpu.memory_space<vmem>>) dst(%dma_wait3A_106 : memref<128x32xf32, #tpu.memory_space<vmem_shared>>)
      tpu.yield
    }) : () -> ()
    %mul3A_38 = arith.constant 640 : i32
    %mul3A_39 = arith.muli %arg1, %mul3A_38 : i32
    %add3A_40 = arith.constant 512 : i32
    %add3A_41 = arith.addi %mul3A_39, %add3A_40 : i32
    "tpu.region"() ({
      %run_scoped3A_98 = tpu.sem_alloc : memref<!tpu.dma_semaphore, #tpu.memory_space<semaphore_mem>>
      %dma_start3A_99 = arith.constant 0 : i32
      %dma_start3A_100 = tpu.memref_slice %arg13[%add3A_41, %dma_start3A_99] : memref<10240x32xf32, #tpu.memory_space<vmem_shared>> -> memref<128x32xf32, #tpu.memory_space<vmem_shared>>
      %dma_start3A_101 = arith.constant 0 : i32
      %dma_start3A_102 = tpu.memref_slice %arg13[%add3A_41, %dma_start3A_101] : memref<10240x32xf32, #tpu.memory_space<vmem_shared>> -> memref<128x32xf32, #tpu.memory_space<vmem_shared>>
      tpu.enqueue_dma source(%arg10 : memref<128x32xf32, #tpu.memory_space<vmem>>) target(%dma_start3A_102 : memref<128x32xf32, #tpu.memory_space<vmem_shared>>) target_semaphore(%run_scoped3A_98 : memref<!tpu.dma_semaphore, #tpu.memory_space<semaphore_mem>>)
      %dma_wait3A_103 = arith.constant 0 : i32
      %dma_wait3A_104 = tpu.memref_slice %arg13[%add3A_41, %dma_wait3A_103] : memref<10240x32xf32, #tpu.memory_space<vmem_shared>> -> memref<128x32xf32, #tpu.memory_space<vmem_shared>>
      %dma_wait3A_105 = arith.constant 0 : i32
      %dma_wait3A_106 = tpu.memref_slice %arg13[%add3A_41, %dma_wait3A_105] : memref<10240x32xf32, #tpu.memory_space<vmem_shared>> -> memref<128x32xf32, #tpu.memory_space<vmem_shared>>
      tpu.wait_dma2 semaphore(%run_scoped3A_98 : memref<!tpu.dma_semaphore, #tpu.memory_space<semaphore_mem>>) src(%arg10 : memref<128x32xf32, #tpu.memory_space<vmem>>) dst(%dma_wait3A_106 : memref<128x32xf32, #tpu.memory_space<vmem_shared>>)
      tpu.yield
    }) : () -> ()
    %dma_wait3A = arith.constant 0 : i32
    %dma_wait3A_42 = arith.constant 0 : i32
    %dma_wait3A_43 = tpu.memref_slice %arg3[%add3A, %dma_wait3A, %dma_wait3A_42] : memref<32x10x1000xi32, #tpu.memory_space<hbm>> -> memref<1x10x1000xi32, #tpu.memory_space<hbm>>
    %dma_wait3A_44 = tpu.memref_squeeze %dma_wait3A_43 : memref<1x10x1000xi32, #tpu.memory_space<hbm>> -> memref<10x1000xi32, #tpu.memory_space<hbm>>
    %dma_wait3A_45 = arith.constant 0 : i32
    %dma_wait3A_46 = arith.constant 0 : i32
    %dma_wait3A_47 = tpu.memref_slice %arg3[%add3A, %dma_wait3A_45, %dma_wait3A_46] : memref<32x10x1000xi32, #tpu.memory_space<hbm>> -> memref<1x10x1000xi32, #tpu.memory_space<hbm>>
    %dma_wait3A_48 = tpu.memref_squeeze %dma_wait3A_47 : memref<1x10x1000xi32, #tpu.memory_space<hbm>> -> memref<10x1000xi32, #tpu.memory_space<hbm>>
    tpu.wait_dma2 semaphore(%arg11 : memref<!tpu.dma_semaphore, #tpu.memory_space<semaphore_mem>>) src(%dma_wait3A_48 : memref<10x1000xi32, #tpu.memory_space<hbm>>) dst(%arg6 : memref<10x1000xi32, #tpu.memory_space<vmem>>)
    %dma_wait3A_49 = arith.constant 0 : i32
    %dma_wait3A_50 = arith.constant 0 : i32
    %dma_wait3A_51 = tpu.memref_slice %arg4[%add3A, %dma_wait3A_49, %dma_wait3A_50] : memref<32x10x1000xi32, #tpu.memory_space<hbm>> -> memref<1x10x1000xi32, #tpu.memory_space<hbm>>
    %dma_wait3A_52 = tpu.memref_squeeze %dma_wait3A_51 : memref<1x10x1000xi32, #tpu.memory_space<hbm>> -> memref<10x1000xi32, #tpu.memory_space<hbm>>
    %dma_wait3A_53 = arith.constant 0 : i32
    %dma_wait3A_54 = arith.constant 0 : i32
    %dma_wait3A_55 = tpu.memref_slice %arg4[%add3A, %dma_wait3A_53, %dma_wait3A_54] : memref<32x10x1000xi32, #tpu.memory_space<hbm>> -> memref<1x10x1000xi32, #tpu.memory_space<hbm>>
    %dma_wait3A_56 = tpu.memref_squeeze %dma_wait3A_55 : memref<1x10x1000xi32, #tpu.memory_space<hbm>> -> memref<10x1000xi32, #tpu.memory_space<hbm>>
    tpu.wait_dma2 semaphore(%arg12 : memref<!tpu.dma_semaphore, #tpu.memory_space<semaphore_mem>>) src(%dma_wait3A_56 : memref<10x1000xi32, #tpu.memory_space<hbm>>) dst(%arg7 : memref<10x1000xi32, #tpu.memory_space<vmem>>)
    %barrier3A = arith.constant 0 : index
    tpu.barrier barrier_id(%barrier3A)
    %dma_start3A_57 = arith.constant 0 : i32
    %dma_start3A_58 = arith.constant 0 : i32
    %dma_start3A_59 = tpu.memref_slice %arg6[%dma_start3A_57, %dma_start3A_58] : memref<10x1000xi32, #tpu.memory_space<vmem>> -> memref<1x1000xi32, #tpu.memory_space<vmem>>
    %dma_start3A_60 = tpu.memref_squeeze %dma_start3A_59 : memref<1x1000xi32, #tpu.memory_space<vmem>> -> memref<1000xi32, #tpu.memory_space<vmem>>
    %dma_start3A_61 = arith.constant 0 : i32
    %dma_start3A_62 = arith.constant 0 : i32
    %dma_start3A_63 = tpu.memref_slice %arg2[%dma_start3A_61, %dma_start3A_62] : memref<10240x32xf32, #tpu.memory_space<hbm>> -> memref<10240x32xf32, #tpu.memory_space<hbm>>
    tpu.enqueue_indirect_dma source(%dma_start3A_63 : memref<10240x32xf32, #tpu.memory_space<hbm>>) target(%arg8 : memref<1000x32xf32, #tpu.memory_space<vmem>>) offsets(%dma_start3A_60 : memref<1000xi32, #tpu.memory_space<vmem>>) semaphore(%arg11 : memref<!tpu.dma_semaphore, #tpu.memory_space<semaphore_mem>>)
    %dma_start3A_64 = arith.constant 1 : i32
    %dma_start3A_65 = arith.constant 0 : i32
    %dma_start3A_66 = tpu.memref_slice %arg6[%dma_start3A_64, %dma_start3A_65] : memref<10x1000xi32, #tpu.memory_space<vmem>> -> memref<1x1000xi32, #tpu.memory_space<vmem>>
    %dma_start3A_67 = tpu.memref_squeeze %dma_start3A_66 : memref<1x1000xi32, #tpu.memory_space<vmem>> -> memref<1000xi32, #tpu.memory_space<vmem>>
    %dma_start3A_68 = arith.constant 0 : i32
    %dma_start3A_69 = arith.constant 0 : i32
    %dma_start3A_70 = tpu.memref_slice %arg2[%dma_start3A_68, %dma_start3A_69] : memref<10240x32xf32, #tpu.memory_space<hbm>> -> memref<10240x32xf32, #tpu.memory_space<hbm>>
    tpu.enqueue_indirect_dma source(%dma_start3A_70 : memref<10240x32xf32, #tpu.memory_space<hbm>>) target(%arg9 : memref<1000x32xf32, #tpu.memory_space<vmem>>) offsets(%dma_start3A_67 : memref<1000xi32, #tpu.memory_space<vmem>>) semaphore(%arg12 : memref<!tpu.dma_semaphore, #tpu.memory_space<semaphore_mem>>)
    %scan3A_71 = arith.constant 0 : i32
    %scan3A_72 = arith.constant 0 : i32
    %scan3A_73 = arith.constant 4 : i32
    %scan3A_74 = arith.addi %scan3A_72, %scan3A_73 : i32
    %scan3A_75 = arith.constant 1 : i32
    %scan3A_76 = scf.for %scan3A_98 = %scan3A_72 to %scan3A_74 step %scan3A_75 iter_args(%scan3A_99 = %scan3A_71) -> (i32)  : i32 {
      %mul3A_100 = arith.constant 2 : i32
      %mul3A_101 = arith.muli %mul3A_100, %scan3A_98 : i32
      %mul3A_102 = arith.constant 2 : i32
      %mul3A_103 = arith.muli %mul3A_102, %scan3A_98 : i32
      %add3A_104 = arith.constant 1 : i32
      %add3A_105 = arith.addi %mul3A_103, %add3A_104 : i32
      %dma_wait3A_106 = arith.constant 0 : i32
      %dma_wait3A_107 = tpu.memref_slice %arg6[%mul3A_101, %dma_wait3A_106] : memref<10x1000xi32, #tpu.memory_space<vmem>> -> memref<1x1000xi32, #tpu.memory_space<vmem>>
      %dma_wait3A_108 = tpu.memref_squeeze %dma_wait3A_107 : memref<1x1000xi32, #tpu.memory_space<vmem>> -> memref<1000xi32, #tpu.memory_space<vmem>>
      %dma_wait3A_109 = arith.constant 0 : i32
      %dma_wait3A_110 = arith.constant 0 : i32
      %dma_wait3A_111 = tpu.memref_slice %arg2[%dma_wait3A_109, %dma_wait3A_110] : memref<10240x32xf32, #tpu.memory_space<hbm>> -> memref<10240x32xf32, #tpu.memory_space<hbm>>
      tpu.wait_indirect_dma semaphore(%arg11 : memref<!tpu.dma_semaphore, #tpu.memory_space<semaphore_mem>>) src(%dma_wait3A_111 : memref<10240x32xf32, #tpu.memory_space<hbm>>) dst(%arg8 : memref<1000x32xf32, #tpu.memory_space<vmem>>)
      "tpu.region"() ({
        %run_scoped3A_135 = tpu.sem_alloc : memref<!tpu.dma_semaphore, #tpu.memory_space<semaphore_mem>>
        %dma_start3A_136 = arith.constant 0 : i32
        %dma_start3A_137 = tpu.memref_slice %arg7[%mul3A_101, %dma_start3A_136] : memref<10x1000xi32, #tpu.memory_space<vmem>> -> memref<1x1000xi32, #tpu.memory_space<vmem>>
        %dma_start3A_138 = tpu.memref_squeeze %dma_start3A_137 : memref<1x1000xi32, #tpu.memory_space<vmem>> -> memref<1000xi32, #tpu.memory_space<vmem>>
        %dma_start3A_139 = arith.constant 0 : i32
        %dma_start3A_140 = arith.constant 0 : i32
        %dma_start3A_141 = tpu.memref_slice %arg13[%dma_start3A_139, %dma_start3A_140] : memref<10240x32xf32, #tpu.memory_space<vmem_shared>> -> memref<10240x32xf32, #tpu.memory_space<vmem_shared>>
        tpu.enqueue_indirect_dma source(%arg8 : memref<1000x32xf32, #tpu.memory_space<vmem>>) target(%dma_start3A_141 : memref<10240x32xf32, #tpu.memory_space<vmem_shared>>) offsets(%dma_start3A_138 : memref<1000xi32, #tpu.memory_space<vmem>>) semaphore(%run_scoped3A_135 : memref<!tpu.dma_semaphore, #tpu.memory_space<semaphore_mem>>) {add = true}
        %dma_wait3A_142 = arith.constant 0 : i32
        %dma_wait3A_143 = tpu.memref_slice %arg7[%mul3A_101, %dma_wait3A_142] : memref<10x1000xi32, #tpu.memory_space<vmem>> -> memref<1x1000xi32, #tpu.memory_space<vmem>>
        %dma_wait3A_144 = tpu.memref_squeeze %dma_wait3A_143 : memref<1x1000xi32, #tpu.memory_space<vmem>> -> memref<1000xi32, #tpu.memory_space<vmem>>
        %dma_wait3A_145 = arith.constant 0 : i32
        %dma_wait3A_146 = arith.constant 0 : i32
        %dma_wait3A_147 = tpu.memref_slice %arg13[%dma_wait3A_145, %dma_wait3A_146] : memref<10240x32xf32, #tpu.memory_space<vmem_shared>> -> memref<10240x32xf32, #tpu.memory_space<vmem_shared>>
        tpu.wait_indirect_dma semaphore(%run_scoped3A_135 : memref<!tpu.dma_semaphore, #tpu.memory_space<semaphore_mem>>) src(%arg8 : memref<1000x32xf32, #tpu.memory_space<vmem>>) dst(%dma_wait3A_147 : memref<10240x32xf32, #tpu.memory_space<vmem_shared>>)
        tpu.yield
      }) : () -> ()
      %add3A_112 = arith.constant 2 : i32
      %add3A_113 = arith.addi %mul3A_101, %add3A_112 : i32
      %dma_start3A_114 = arith.constant 0 : i32
      %dma_start3A_115 = tpu.memref_slice %arg6[%add3A_113, %dma_start3A_114] : memref<10x1000xi32, #tpu.memory_space<vmem>> -> memref<1x1000xi32, #tpu.memory_space<vmem>>
      %dma_start3A_116 = tpu.memref_squeeze %dma_start3A_115 : memref<1x1000xi32, #tpu.memory_space<vmem>> -> memref<1000xi32, #tpu.memory_space<vmem>>
      %dma_start3A_117 = arith.constant 0 : i32
      %dma_start3A_118 = arith.constant 0 : i32
      %dma_start3A_119 = tpu.memref_slice %arg2[%dma_start3A_117, %dma_start3A_118] : memref<10240x32xf32, #tpu.memory_space<hbm>> -> memref<10240x32xf32, #tpu.memory_space<hbm>>
      tpu.enqueue_indirect_dma source(%dma_start3A_119 : memref<10240x32xf32, #tpu.memory_space<hbm>>) target(%arg8 : memref<1000x32xf32, #tpu.memory_space<vmem>>) offsets(%dma_start3A_116 : memref<1000xi32, #tpu.memory_space<vmem>>) semaphore(%arg11 : memref<!tpu.dma_semaphore, #tpu.memory_space<semaphore_mem>>)
      %dma_wait3A_120 = arith.constant 0 : i32
      %dma_wait3A_121 = tpu.memref_slice %arg6[%add3A_105, %dma_wait3A_120] : memref<10x1000xi32, #tpu.memory_space<vmem>> -> memref<1x1000xi32, #tpu.memory_space<vmem>>
      %dma_wait3A_122 = tpu.memref_squeeze %dma_wait3A_121 : memref<1x1000xi32, #tpu.memory_space<vmem>> -> memref<1000xi32, #tpu.memory_space<vmem>>
      %dma_wait3A_123 = arith.constant 0 : i32
      %dma_wait3A_124 = arith.constant 0 : i32
      %dma_wait3A_125 = tpu.memref_slice %arg2[%dma_wait3A_123, %dma_wait3A_124] : memref<10240x32xf32, #tpu.memory_space<hbm>> -> memref<10240x32xf32, #tpu.memory_space<hbm>>
      tpu.wait_indirect_dma semaphore(%arg12 : memref<!tpu.dma_semaphore, #tpu.memory_space<semaphore_mem>>) src(%dma_wait3A_125 : memref<10240x32xf32, #tpu.memory_space<hbm>>) dst(%arg9 : memref<1000x32xf32, #tpu.memory_space<vmem>>)
      "tpu.region"() ({
        %run_scoped3A_135 = tpu.sem_alloc : memref<!tpu.dma_semaphore, #tpu.memory_space<semaphore_mem>>
        %dma_start3A_136 = arith.constant 0 : i32
        %dma_start3A_137 = tpu.memref_slice %arg7[%add3A_105, %dma_start3A_136] : memref<10x1000xi32, #tpu.memory_space<vmem>> -> memref<1x1000xi32, #tpu.memory_space<vmem>>
        %dma_start3A_138 = tpu.memref_squeeze %dma_start3A_137 : memref<1x1000xi32, #tpu.memory_space<vmem>> -> memref<1000xi32, #tpu.memory_space<vmem>>
        %dma_start3A_139 = arith.constant 0 : i32
        %dma_start3A_140 = arith.constant 0 : i32
        %dma_start3A_141 = tpu.memref_slice %arg13[%dma_start3A_139, %dma_start3A_140] : memref<10240x32xf32, #tpu.memory_space<vmem_shared>> -> memref<10240x32xf32, #tpu.memory_space<vmem_shared>>
        tpu.enqueue_indirect_dma source(%arg9 : memref<1000x32xf32, #tpu.memory_space<vmem>>) target(%dma_start3A_141 : memref<10240x32xf32, #tpu.memory_space<vmem_shared>>) offsets(%dma_start3A_138 : memref<1000xi32, #tpu.memory_space<vmem>>) semaphore(%run_scoped3A_135 : memref<!tpu.dma_semaphore, #tpu.memory_space<semaphore_mem>>) {add = true}
        %dma_wait3A_142 = arith.constant 0 : i32
        %dma_wait3A_143 = tpu.memref_slice %arg7[%add3A_105, %dma_wait3A_142] : memref<10x1000xi32, #tpu.memory_space<vmem>> -> memref<1x1000xi32, #tpu.memory_space<vmem>>
        %dma_wait3A_144 = tpu.memref_squeeze %dma_wait3A_143 : memref<1x1000xi32, #tpu.memory_space<vmem>> -> memref<1000xi32, #tpu.memory_space<vmem>>
        %dma_wait3A_145 = arith.constant 0 : i32
        %dma_wait3A_146 = arith.constant 0 : i32
        %dma_wait3A_147 = tpu.memref_slice %arg13[%dma_wait3A_145, %dma_wait3A_146] : memref<10240x32xf32, #tpu.memory_space<vmem_shared>> -> memref<10240x32xf32, #tpu.memory_space<vmem_shared>>
        tpu.wait_indirect_dma semaphore(%run_scoped3A_135 : memref<!tpu.dma_semaphore, #tpu.memory_space<semaphore_mem>>) src(%arg9 : memref<1000x32xf32, #tpu.memory_space<vmem>>) dst(%dma_wait3A_147 : memref<10240x32xf32, #tpu.memory_space<vmem_shared>>)
        tpu.yield
      }) : () -> ()
      %add3A_126 = arith.constant 2 : i32
      %add3A_127 = arith.addi %add3A_105, %add3A_126 : i32
      %dma_start3A_128 = arith.constant 0 : i32
      %dma_start3A_129 = tpu.memref_slice %arg6[%add3A_127, %dma_start3A_128] : memref<10x1000xi32, #tpu.memory_space<vmem>> -> memref<1x1000xi32, #tpu.memory_space<vmem>>
      %dma_start3A_130 = tpu.memref_squeeze %dma_start3A_129 : memref<1x1000xi32, #tpu.memory_space<vmem>> -> memref<1000xi32, #tpu.memory_space<vmem>>
      %dma_start3A_131 = arith.constant 0 : i32
      %dma_start3A_132 = arith.constant 0 : i32
      %dma_start3A_133 = tpu.memref_slice %arg2[%dma_start3A_131, %dma_start3A_132] : memref<10240x32xf32, #tpu.memory_space<hbm>> -> memref<10240x32xf32, #tpu.memory_space<hbm>>
      tpu.enqueue_indirect_dma source(%dma_start3A_133 : memref<10240x32xf32, #tpu.memory_space<hbm>>) target(%arg9 : memref<1000x32xf32, #tpu.memory_space<vmem>>) offsets(%dma_start3A_130 : memref<1000xi32, #tpu.memory_space<vmem>>) semaphore(%arg12 : memref<!tpu.dma_semaphore, #tpu.memory_space<semaphore_mem>>)
      %scan3A_134 = arith.constant 0 : i32
      scf.yield %scan3A_134 : i32
    }
    %scan3A_77 = arith.constant 4 : i32
    %dma_wait3A_78 = arith.constant 8 : i32
    %dma_wait3A_79 = arith.constant 0 : i32
    %dma_wait3A_80 = tpu.memref_slice %arg6[%dma_wait3A_78, %dma_wait3A_79] : memref<10x1000xi32, #tpu.memory_space<vmem>> -> memref<1x1000xi32, #tpu.memory_space<vmem>>
    %dma_wait3A_81 = tpu.memref_squeeze %dma_wait3A_80 : memref<1x1000xi32, #tpu.memory_space<vmem>> -> memref<1000xi32, #tpu.memory_space<vmem>>
    %dma_wait3A_82 = arith.constant 0 : i32
    %dma_wait3A_83 = arith.constant 0 : i32
    %dma_wait3A_84 = tpu.memref_slice %arg2[%dma_wait3A_82, %dma_wait3A_83] : memref<10240x32xf32, #tpu.memory_space<hbm>> -> memref<10240x32xf32, #tpu.memory_space<hbm>>
    tpu.wait_indirect_dma semaphore(%arg11 : memref<!tpu.dma_semaphore, #tpu.memory_space<semaphore_mem>>) src(%dma_wait3A_84 : memref<10240x32xf32, #tpu.memory_space<hbm>>) dst(%arg8 : memref<1000x32xf32, #tpu.memory_space<vmem>>)
    %run_scoped3A = arith.constant 8 : i32
    "tpu.region"() ({
      %run_scoped3A_98 = tpu.sem_alloc : memref<!tpu.dma_semaphore, #tpu.memory_space<semaphore_mem>>
      %dma_start3A_99 = arith.constant 0 : i32
      %dma_start3A_100 = tpu.memref_slice %arg7[%run_scoped3A, %dma_start3A_99] : memref<10x1000xi32, #tpu.memory_space<vmem>> -> memref<1x1000xi32, #tpu.memory_space<vmem>>
      %dma_start3A_101 = tpu.memref_squeeze %dma_start3A_100 : memref<1x1000xi32, #tpu.memory_space<vmem>> -> memref<1000xi32, #tpu.memory_space<vmem>>
      %dma_start3A_102 = arith.constant 0 : i32
      %dma_start3A_103 = arith.constant 0 : i32
      %dma_start3A_104 = tpu.memref_slice %arg13[%dma_start3A_102, %dma_start3A_103] : memref<10240x32xf32, #tpu.memory_space<vmem_shared>> -> memref<10240x32xf32, #tpu.memory_space<vmem_shared>>
      tpu.enqueue_indirect_dma source(%arg8 : memref<1000x32xf32, #tpu.memory_space<vmem>>) target(%dma_start3A_104 : memref<10240x32xf32, #tpu.memory_space<vmem_shared>>) offsets(%dma_start3A_101 : memref<1000xi32, #tpu.memory_space<vmem>>) semaphore(%run_scoped3A_98 : memref<!tpu.dma_semaphore, #tpu.memory_space<semaphore_mem>>) {add = true}
      %dma_wait3A_105 = arith.constant 0 : i32
      %dma_wait3A_106 = tpu.memref_slice %arg7[%run_scoped3A, %dma_wait3A_105] : memref<10x1000xi32, #tpu.memory_space<vmem>> -> memref<1x1000xi32, #tpu.memory_space<vmem>>
      %dma_wait3A_107 = tpu.memref_squeeze %dma_wait3A_106 : memref<1x1000xi32, #tpu.memory_space<vmem>> -> memref<1000xi32, #tpu.memory_space<vmem>>
      %dma_wait3A_108 = arith.constant 0 : i32
      %dma_wait3A_109 = arith.constant 0 : i32
      %dma_wait3A_110 = tpu.memref_slice %arg13[%dma_wait3A_108, %dma_wait3A_109] : memref<10240x32xf32, #tpu.memory_space<vmem_shared>> -> memref<10240x32xf32, #tpu.memory_space<vmem_shared>>
      tpu.wait_indirect_dma semaphore(%run_scoped3A_98 : memref<!tpu.dma_semaphore, #tpu.memory_space<semaphore_mem>>) src(%arg8 : memref<1000x32xf32, #tpu.memory_space<vmem>>) dst(%dma_wait3A_110 : memref<10240x32xf32, #tpu.memory_space<vmem_shared>>)
      tpu.yield
    }) : () -> ()
    %dma_wait3A_85 = arith.constant 9 : i32
    %dma_wait3A_86 = arith.constant 0 : i32
    %dma_wait3A_87 = tpu.memref_slice %arg6[%dma_wait3A_85, %dma_wait3A_86] : memref<10x1000xi32, #tpu.memory_space<vmem>> -> memref<1x1000xi32, #tpu.memory_space<vmem>>
    %dma_wait3A_88 = tpu.memref_squeeze %dma_wait3A_87 : memref<1x1000xi32, #tpu.memory_space<vmem>> -> memref<1000xi32, #tpu.memory_space<vmem>>
    %dma_wait3A_89 = arith.constant 0 : i32
    %dma_wait3A_90 = arith.constant 0 : i32
    %dma_wait3A_91 = tpu.memref_slice %arg2[%dma_wait3A_89, %dma_wait3A_90] : memref<10240x32xf32, #tpu.memory_space<hbm>> -> memref<10240x32xf32, #tpu.memory_space<hbm>>
    tpu.wait_indirect_dma semaphore(%arg12 : memref<!tpu.dma_semaphore, #tpu.memory_space<semaphore_mem>>) src(%dma_wait3A_91 : memref<10240x32xf32, #tpu.memory_space<hbm>>) dst(%arg9 : memref<1000x32xf32, #tpu.memory_space<vmem>>)
    %run_scoped3A_92 = arith.constant 9 : i32
    "tpu.region"() ({
      %run_scoped3A_98 = tpu.sem_alloc : memref<!tpu.dma_semaphore, #tpu.memory_space<semaphore_mem>>
      %dma_start3A_99 = arith.constant 0 : i32
      %dma_start3A_100 = tpu.memref_slice %arg7[%run_scoped3A_92, %dma_start3A_99] : memref<10x1000xi32, #tpu.memory_space<vmem>> -> memref<1x1000xi32, #tpu.memory_space<vmem>>
      %dma_start3A_101 = tpu.memref_squeeze %dma_start3A_100 : memref<1x1000xi32, #tpu.memory_space<vmem>> -> memref<1000xi32, #tpu.memory_space<vmem>>
      %dma_start3A_102 = arith.constant 0 : i32
      %dma_start3A_103 = arith.constant 0 : i32
      %dma_start3A_104 = tpu.memref_slice %arg13[%dma_start3A_102, %dma_start3A_103] : memref<10240x32xf32, #tpu.memory_space<vmem_shared>> -> memref<10240x32xf32, #tpu.memory_space<vmem_shared>>
      tpu.enqueue_indirect_dma source(%arg9 : memref<1000x32xf32, #tpu.memory_space<vmem>>) target(%dma_start3A_104 : memref<10240x32xf32, #tpu.memory_space<vmem_shared>>) offsets(%dma_start3A_101 : memref<1000xi32, #tpu.memory_space<vmem>>) semaphore(%run_scoped3A_98 : memref<!tpu.dma_semaphore, #tpu.memory_space<semaphore_mem>>) {add = true}
      %dma_wait3A_105 = arith.constant 0 : i32
      %dma_wait3A_106 = tpu.memref_slice %arg7[%run_scoped3A_92, %dma_wait3A_105] : memref<10x1000xi32, #tpu.memory_space<vmem>> -> memref<1x1000xi32, #tpu.memory_space<vmem>>
      %dma_wait3A_107 = tpu.memref_squeeze %dma_wait3A_106 : memref<1x1000xi32, #tpu.memory_space<vmem>> -> memref<1000xi32, #tpu.memory_space<vmem>>
      %dma_wait3A_108 = arith.constant 0 : i32
      %dma_wait3A_109 = arith.constant 0 : i32
      %dma_wait3A_110 = tpu.memref_slice %arg13[%dma_wait3A_108, %dma_wait3A_109] : memref<10240x32xf32, #tpu.memory_space<vmem_shared>> -> memref<10240x32xf32, #tpu.memory_space<vmem_shared>>
      tpu.wait_indirect_dma semaphore(%run_scoped3A_98 : memref<!tpu.dma_semaphore, #tpu.memory_space<semaphore_mem>>) src(%arg9 : memref<1000x32xf32, #tpu.memory_space<vmem>>) dst(%dma_wait3A_110 : memref<10240x32xf32, #tpu.memory_space<vmem_shared>>)
      tpu.yield
    }) : () -> ()
    %barrier3A_93 = arith.constant 0 : index
    tpu.barrier barrier_id(%barrier3A_93)
    %mul3A_94 = arith.constant 640 : i32
    %mul3A_95 = arith.muli %arg1, %mul3A_94 : i32
    %mul3A_96 = arith.constant 640 : i32
    %mul3A_97 = arith.muli %arg1, %mul3A_96 : i32
    "tpu.region"() ({
      %run_scoped3A_98 = tpu.sem_alloc : memref<!tpu.dma_semaphore, #tpu.memory_space<semaphore_mem>>
      %dma_start3A_99 = arith.constant 0 : i32
      %dma_start3A_100 = tpu.memref_slice %arg5[%arg0, %mul3A_97, %dma_start3A_99] : memref<2x10240x32xf32, #tpu.memory_space<hbm>> -> memref<1x640x32xf32, #tpu.memory_space<hbm>>
      %dma_start3A_101 = tpu.memref_squeeze %dma_start3A_100 : memref<1x640x32xf32, #tpu.memory_space<hbm>> -> memref<640x32xf32, #tpu.memory_space<hbm>>
      %dma_start3A_102 = arith.constant 0 : i32
      %dma_start3A_103 = tpu.memref_slice %arg13[%mul3A_95, %dma_start3A_102] : memref<10240x32xf32, #tpu.memory_space<vmem_shared>> -> memref<640x32xf32, #tpu.memory_space<vmem_shared>>
      tpu.enqueue_dma source(%dma_start3A_103 : memref<640x32xf32, #tpu.memory_space<vmem_shared>>) target(%dma_start3A_101 : memref<640x32xf32, #tpu.memory_space<hbm>>) target_semaphore(%run_scoped3A_98 : memref<!tpu.dma_semaphore, #tpu.memory_space<semaphore_mem>>)
      %dma_wait3A_104 = arith.constant 0 : i32
      %dma_wait3A_105 = tpu.memref_slice %arg5[%arg0, %mul3A_97, %dma_wait3A_104] : memref<2x10240x32xf32, #tpu.memory_space<hbm>> -> memref<1x640x32xf32, #tpu.memory_space<hbm>>
      %dma_wait3A_106 = tpu.memref_squeeze %dma_wait3A_105 : memref<1x640x32xf32, #tpu.memory_space<hbm>> -> memref<640x32xf32, #tpu.memory_space<hbm>>
      %dma_wait3A_107 = arith.constant 0 : i32
      %dma_wait3A_108 = tpu.memref_slice %arg13[%mul3A_95, %dma_wait3A_107] : memref<10240x32xf32, #tpu.memory_space<vmem_shared>> -> memref<640x32xf32, #tpu.memory_space<vmem_shared>>
      tpu.wait_dma2 semaphore(%run_scoped3A_98 : memref<!tpu.dma_semaphore, #tpu.memory_space<semaphore_mem>>) src(%dma_wait3A_108 : memref<640x32xf32, #tpu.memory_space<vmem_shared>>) dst(%dma_wait3A_106 : memref<640x32xf32, #tpu.memory_space<hbm>>)
      tpu.yield
    }) : () -> ()
    return
  }
}

#map = affine_map<(d0, d1) -> (0, 0)>
#map1 = affine_map<(d0, d1) -> (0, 0, 0)>
module attributes {stable_mosaic.version = 14 : i64} {
  func.func @_sc_agg_body(%arg0: i32, %arg1: i32, %arg2: memref<10240x32xf32, #tpu.memory_space<hbm>>, %arg3: memref<32x10x1000xi32, #tpu.memory_space<hbm>>, %arg4: memref<32x10x1000xi32, #tpu.memory_space<hbm>>, %arg5: memref<2x10240x32xf32, #tpu.memory_space<hbm>>, %arg6: memref<10x1000xi32, #tpu.memory_space<vmem>>, %arg7: memref<10x1000xi32, #tpu.memory_space<vmem>>, %arg8: memref<1000x32xf32, #tpu.memory_space<vmem>>, %arg9: memref<1000x32xf32, #tpu.memory_space<vmem>>, %arg10: memref<128x32xf32, #tpu.memory_space<vmem>>, %arg11: memref<!tpu.dma_semaphore, #tpu.memory_space<semaphore_mem>>, %arg12: memref<!tpu.dma_semaphore, #tpu.memory_space<semaphore_mem>>, %arg13: memref<10240x32xf32, #tpu.memory_space<vmem_shared>>) attributes {dimension_semantics = [#tpu.dimension_semantics<core_parallel>, #tpu.dimension_semantics<subcore_parallel>], iteration_bounds = array<i64: 2, 16>, scalar_prefetch = 0 : i64, scratch_operands = 8 : i64, tpu.core_type = #tpu.core_type<sc_vector_subcore>, window_params = [{transform_indices = #map}, {transform_indices = #map1}, {transform_indices = #map1}, {transform_indices = #map1}]} {
    %mul3A = arith.constant 2 : i32
    %mul3A_0 = arith.muli %arg1, %mul3A : i32
    %add3A = arith.addi %mul3A_0, %arg0 : i32
    %dma_start3A = arith.constant 0 : i32
    %dma_start3A_1 = arith.constant 0 : i32
    %dma_start3A_2 = tpu.memref_slice %arg3[%add3A, %dma_start3A, %dma_start3A_1] : memref<32x10x1000xi32, #tpu.memory_space<hbm>> -> memref<1x10x1000xi32, #tpu.memory_space<hbm>>
    %dma_start3A_3 = tpu.memref_squeeze %dma_start3A_2 : memref<1x10x1000xi32, #tpu.memory_space<hbm>> -> memref<10x1000xi32, #tpu.memory_space<hbm>>
    %dma_start3A_4 = arith.constant 0 : i32
    %dma_start3A_5 = arith.constant 0 : i32
    %dma_start3A_6 = tpu.memref_slice %arg3[%add3A, %dma_start3A_4, %dma_start3A_5] : memref<32x10x1000xi32, #tpu.memory_space<hbm>> -> memref<1x10x1000xi32, #tpu.memory_space<hbm>>
    %dma_start3A_7 = tpu.memref_squeeze %dma_start3A_6 : memref<1x10x1000xi32, #tpu.memory_space<hbm>> -> memref<10x1000xi32, #tpu.memory_space<hbm>>
    tpu.enqueue_dma source(%dma_start3A_7 : memref<10x1000xi32, #tpu.memory_space<hbm>>) target(%arg6 : memref<10x1000xi32, #tpu.memory_space<vmem>>) target_semaphore(%arg11 : memref<!tpu.dma_semaphore, #tpu.memory_space<semaphore_mem>>)
    %dma_start3A_8 = arith.constant 0 : i32
    %dma_start3A_9 = arith.constant 0 : i32
    %dma_start3A_10 = tpu.memref_slice %arg4[%add3A, %dma_start3A_8, %dma_start3A_9] : memref<32x10x1000xi32, #tpu.memory_space<hbm>> -> memref<1x10x1000xi32, #tpu.memory_space<hbm>>
    %dma_start3A_11 = tpu.memref_squeeze %dma_start3A_10 : memref<1x10x1000xi32, #tpu.memory_space<hbm>> -> memref<10x1000xi32, #tpu.memory_space<hbm>>
    %dma_start3A_12 = arith.constant 0 : i32
    %dma_start3A_13 = arith.constant 0 : i32
    %dma_start3A_14 = tpu.memref_slice %arg4[%add3A, %dma_start3A_12, %dma_start3A_13] : memref<32x10x1000xi32, #tpu.memory_space<hbm>> -> memref<1x10x1000xi32, #tpu.memory_space<hbm>>
    %dma_start3A_15 = tpu.memref_squeeze %dma_start3A_14 : memref<1x10x1000xi32, #tpu.memory_space<hbm>> -> memref<10x1000xi32, #tpu.memory_space<hbm>>
    tpu.enqueue_dma source(%dma_start3A_15 : memref<10x1000xi32, #tpu.memory_space<hbm>>) target(%arg7 : memref<10x1000xi32, #tpu.memory_space<vmem>>) target_semaphore(%arg12 : memref<!tpu.dma_semaphore, #tpu.memory_space<semaphore_mem>>)
    %scan3A = arith.constant 0 : i32
    %scan3A_16 = arith.constant 0 : i32
    %scan3A_17 = arith.constant 128 : i32
    %scan3A_18 = arith.addi %scan3A_16, %scan3A_17 : i32
    %scan3A_19 = arith.constant 1 : i32
    %scan3A_20 = scf.for %scan3A_98 = %scan3A_16 to %scan3A_18 step %scan3A_19 iter_args(%scan3A_99 = %scan3A) -> (i32)  : i32 {
      %broadcast_in_dim3A = arith.constant 0.000000e+00 : f32
      %broadcast_in_dim3A_100 = vector.broadcast %broadcast_in_dim3A : f32 to vector<16xf32>
      %swap3A = arith.index_cast %scan3A_98 : i32 to index
      %swap3A_101 = arith.constant 0 : index
      %swap3A_102 = tpu.vector_load %arg10[%swap3A, %swap3A_101] {strides = array<i32>} : memref<128x32xf32, #tpu.memory_space<vmem>>, vector<1x16xf32>,
      %swap3A_103 = vector.shape_cast %swap3A_102 : vector<1x16xf32> to vector<16xf32>
      %swap3A_104 = vector.shape_cast %broadcast_in_dim3A_100 : vector<16xf32> to vector<1x16xf32>
      tpu.vector_store %arg10[%swap3A, %swap3A_101], %swap3A_104 {strides = array<i32>} : memref<128x32xf32, #tpu.memory_space<vmem>>, vector<1x16xf32>,
      %broadcast_in_dim3A_105 = arith.constant 0.000000e+00 : f32
      %broadcast_in_dim3A_106 = vector.broadcast %broadcast_in_dim3A_105 : f32 to vector<16xf32>
      %swap3A_107 = arith.index_cast %scan3A_98 : i32 to index
      %swap3A_108 = arith.constant 16 : index
      %swap3A_109 = tpu.vector_load %arg10[%swap3A_107, %swap3A_108] {strides = array<i32>} : memref<128x32xf32, #tpu.memory_space<vmem>>, vector<1x16xf32>,
      %swap3A_110 = vector.shape_cast %swap3A_109 : vector<1x16xf32> to vector<16xf32>
      %swap3A_111 = vector.shape_cast %broadcast_in_dim3A_106 : vector<16xf32> to vector<1x16xf32>
      tpu.vector_store %arg10[%swap3A_107, %swap3A_108], %swap3A_111 {strides = array<i32>} : memref<128x32xf32, #tpu.memory_space<vmem>>, vector<1x16xf32>,
      %scan3A_112 = arith.constant 0 : i32
      scf.yield %scan3A_112 : i32
    }
    %scan3A_21 = arith.constant 128 : i32
    %mul3A_22 = arith.constant 640 : i32
    %mul3A_23 = arith.muli %arg1, %mul3A_22 : i32
    %add3A_24 = arith.constant 0 : i32
    %add3A_25 = arith.addi %mul3A_23, %add3A_24 : i32
    "tpu.region"() ({
      %run_scoped3A_98 = tpu.sem_alloc : memref<!tpu.dma_semaphore, #tpu.memory_space<semaphore_mem>>
      %dma_start3A_99 = arith.constant 0 : i32
      %dma_start3A_100 = tpu.memref_slice %arg13[%add3A_25, %dma_start3A_99] : memref<10240x32xf32, #tpu.memory_space<vmem_shared>> -> memref<128x32xf32, #tpu.memory_space<vmem_shared>>
      %dma_start3A_101 = arith.constant 0 : i32
      %dma_start3A_102 = tpu.memref_slice %arg13[%add3A_25, %dma_start3A_101] : memref<10240x32xf32, #tpu.memory_space<vmem_shared>> -> memref<128x32xf32, #tpu.memory_space<vmem_shared>>
      tpu.enqueue_dma source(%arg10 : memref<128x32xf32, #tpu.memory_space<vmem>>) target(%dma_start3A_102 : memref<128x32xf32, #tpu.memory_space<vmem_shared>>) target_semaphore(%run_scoped3A_98 : memref<!tpu.dma_semaphore, #tpu.memory_space<semaphore_mem>>)
      %dma_wait3A_103 = arith.constant 0 : i32
      %dma_wait3A_104 = tpu.memref_slice %arg13[%add3A_25, %dma_wait3A_103] : memref<10240x32xf32, #tpu.memory_space<vmem_shared>> -> memref<128x32xf32, #tpu.memory_space<vmem_shared>>
      %dma_wait3A_105 = arith.constant 0 : i32
      %dma_wait3A_106 = tpu.memref_slice %arg13[%add3A_25, %dma_wait3A_105] : memref<10240x32xf32, #tpu.memory_space<vmem_shared>> -> memref<128x32xf32, #tpu.memory_space<vmem_shared>>
      tpu.wait_dma2 semaphore(%run_scoped3A_98 : memref<!tpu.dma_semaphore, #tpu.memory_space<semaphore_mem>>) src(%arg10 : memref<128x32xf32, #tpu.memory_space<vmem>>) dst(%dma_wait3A_106 : memref<128x32xf32, #tpu.memory_space<vmem_shared>>)
      tpu.yield
    }) : () -> ()
    %mul3A_26 = arith.constant 640 : i32
    %mul3A_27 = arith.muli %arg1, %mul3A_26 : i32
    %add3A_28 = arith.constant 128 : i32
    %add3A_29 = arith.addi %mul3A_27, %add3A_28 : i32
    "tpu.region"() ({
      %run_scoped3A_98 = tpu.sem_alloc : memref<!tpu.dma_semaphore, #tpu.memory_space<semaphore_mem>>
      %dma_start3A_99 = arith.constant 0 : i32
      %dma_start3A_100 = tpu.memref_slice %arg13[%add3A_29, %dma_start3A_99] : memref<10240x32xf32, #tpu.memory_space<vmem_shared>> -> memref<128x32xf32, #tpu.memory_space<vmem_shared>>
      %dma_start3A_101 = arith.constant 0 : i32
      %dma_start3A_102 = tpu.memref_slice %arg13[%add3A_29, %dma_start3A_101] : memref<10240x32xf32, #tpu.memory_space<vmem_shared>> -> memref<128x32xf32, #tpu.memory_space<vmem_shared>>
      tpu.enqueue_dma source(%arg10 : memref<128x32xf32, #tpu.memory_space<vmem>>) target(%dma_start3A_102 : memref<128x32xf32, #tpu.memory_space<vmem_shared>>) target_semaphore(%run_scoped3A_98 : memref<!tpu.dma_semaphore, #tpu.memory_space<semaphore_mem>>)
      %dma_wait3A_103 = arith.constant 0 : i32
      %dma_wait3A_104 = tpu.memref_slice %arg13[%add3A_29, %dma_wait3A_103] : memref<10240x32xf32, #tpu.memory_space<vmem_shared>> -> memref<128x32xf32, #tpu.memory_space<vmem_shared>>
      %dma_wait3A_105 = arith.constant 0 : i32
      %dma_wait3A_106 = tpu.memref_slice %arg13[%add3A_29, %dma_wait3A_105] : memref<10240x32xf32, #tpu.memory_space<vmem_shared>> -> memref<128x32xf32, #tpu.memory_space<vmem_shared>>
      tpu.wait_dma2 semaphore(%run_scoped3A_98 : memref<!tpu.dma_semaphore, #tpu.memory_space<semaphore_mem>>) src(%arg10 : memref<128x32xf32, #tpu.memory_space<vmem>>) dst(%dma_wait3A_106 : memref<128x32xf32, #tpu.memory_space<vmem_shared>>)
      tpu.yield
    }) : () -> ()
    %mul3A_30 = arith.constant 640 : i32
    %mul3A_31 = arith.muli %arg1, %mul3A_30 : i32
    %add3A_32 = arith.constant 256 : i32
    %add3A_33 = arith.addi %mul3A_31, %add3A_32 : i32
    "tpu.region"() ({
      %run_scoped3A_98 = tpu.sem_alloc : memref<!tpu.dma_semaphore, #tpu.memory_space<semaphore_mem>>
      %dma_start3A_99 = arith.constant 0 : i32
      %dma_start3A_100 = tpu.memref_slice %arg13[%add3A_33, %dma_start3A_99] : memref<10240x32xf32, #tpu.memory_space<vmem_shared>> -> memref<128x32xf32, #tpu.memory_space<vmem_shared>>
      %dma_start3A_101 = arith.constant 0 : i32
      %dma_start3A_102 = tpu.memref_slice %arg13[%add3A_33, %dma_start3A_101] : memref<10240x32xf32, #tpu.memory_space<vmem_shared>> -> memref<128x32xf32, #tpu.memory_space<vmem_shared>>
      tpu.enqueue_dma source(%arg10 : memref<128x32xf32, #tpu.memory_space<vmem>>) target(%dma_start3A_102 : memref<128x32xf32, #tpu.memory_space<vmem_shared>>) target_semaphore(%run_scoped3A_98 : memref<!tpu.dma_semaphore, #tpu.memory_space<semaphore_mem>>)
      %dma_wait3A_103 = arith.constant 0 : i32
      %dma_wait3A_104 = tpu.memref_slice %arg13[%add3A_33, %dma_wait3A_103] : memref<10240x32xf32, #tpu.memory_space<vmem_shared>> -> memref<128x32xf32, #tpu.memory_space<vmem_shared>>
      %dma_wait3A_105 = arith.constant 0 : i32
      %dma_wait3A_106 = tpu.memref_slice %arg13[%add3A_33, %dma_wait3A_105] : memref<10240x32xf32, #tpu.memory_space<vmem_shared>> -> memref<128x32xf32, #tpu.memory_space<vmem_shared>>
      tpu.wait_dma2 semaphore(%run_scoped3A_98 : memref<!tpu.dma_semaphore, #tpu.memory_space<semaphore_mem>>) src(%arg10 : memref<128x32xf32, #tpu.memory_space<vmem>>) dst(%dma_wait3A_106 : memref<128x32xf32, #tpu.memory_space<vmem_shared>>)
      tpu.yield
    }) : () -> ()
    %mul3A_34 = arith.constant 640 : i32
    %mul3A_35 = arith.muli %arg1, %mul3A_34 : i32
    %add3A_36 = arith.constant 384 : i32
    %add3A_37 = arith.addi %mul3A_35, %add3A_36 : i32
    "tpu.region"() ({
      %run_scoped3A_98 = tpu.sem_alloc : memref<!tpu.dma_semaphore, #tpu.memory_space<semaphore_mem>>
      %dma_start3A_99 = arith.constant 0 : i32
      %dma_start3A_100 = tpu.memref_slice %arg13[%add3A_37, %dma_start3A_99] : memref<10240x32xf32, #tpu.memory_space<vmem_shared>> -> memref<128x32xf32, #tpu.memory_space<vmem_shared>>
      %dma_start3A_101 = arith.constant 0 : i32
      %dma_start3A_102 = tpu.memref_slice %arg13[%add3A_37, %dma_start3A_101] : memref<10240x32xf32, #tpu.memory_space<vmem_shared>> -> memref<128x32xf32, #tpu.memory_space<vmem_shared>>
      tpu.enqueue_dma source(%arg10 : memref<128x32xf32, #tpu.memory_space<vmem>>) target(%dma_start3A_102 : memref<128x32xf32, #tpu.memory_space<vmem_shared>>) target_semaphore(%run_scoped3A_98 : memref<!tpu.dma_semaphore, #tpu.memory_space<semaphore_mem>>)
      %dma_wait3A_103 = arith.constant 0 : i32
      %dma_wait3A_104 = tpu.memref_slice %arg13[%add3A_37, %dma_wait3A_103] : memref<10240x32xf32, #tpu.memory_space<vmem_shared>> -> memref<128x32xf32, #tpu.memory_space<vmem_shared>>
      %dma_wait3A_105 = arith.constant 0 : i32
      %dma_wait3A_106 = tpu.memref_slice %arg13[%add3A_37, %dma_wait3A_105] : memref<10240x32xf32, #tpu.memory_space<vmem_shared>> -> memref<128x32xf32, #tpu.memory_space<vmem_shared>>
      tpu.wait_dma2 semaphore(%run_scoped3A_98 : memref<!tpu.dma_semaphore, #tpu.memory_space<semaphore_mem>>) src(%arg10 : memref<128x32xf32, #tpu.memory_space<vmem>>) dst(%dma_wait3A_106 : memref<128x32xf32, #tpu.memory_space<vmem_shared>>)
      tpu.yield
    }) : () -> ()
    %mul3A_38 = arith.constant 640 : i32
    %mul3A_39 = arith.muli %arg1, %mul3A_38 : i32
    %add3A_40 = arith.constant 512 : i32
    %add3A_41 = arith.addi %mul3A_39, %add3A_40 : i32
    "tpu.region"() ({
      %run_scoped3A_98 = tpu.sem_alloc : memref<!tpu.dma_semaphore, #tpu.memory_space<semaphore_mem>>
      %dma_start3A_99 = arith.constant 0 : i32
      %dma_start3A_100 = tpu.memref_slice %arg13[%add3A_41, %dma_start3A_99] : memref<10240x32xf32, #tpu.memory_space<vmem_shared>> -> memref<128x32xf32, #tpu.memory_space<vmem_shared>>
      %dma_start3A_101 = arith.constant 0 : i32
      %dma_start3A_102 = tpu.memref_slice %arg13[%add3A_41, %dma_start3A_101] : memref<10240x32xf32, #tpu.memory_space<vmem_shared>> -> memref<128x32xf32, #tpu.memory_space<vmem_shared>>
      tpu.enqueue_dma source(%arg10 : memref<128x32xf32, #tpu.memory_space<vmem>>) target(%dma_start3A_102 : memref<128x32xf32, #tpu.memory_space<vmem_shared>>) target_semaphore(%run_scoped3A_98 : memref<!tpu.dma_semaphore, #tpu.memory_space<semaphore_mem>>)
      %dma_wait3A_103 = arith.constant 0 : i32
      %dma_wait3A_104 = tpu.memref_slice %arg13[%add3A_41, %dma_wait3A_103] : memref<10240x32xf32, #tpu.memory_space<vmem_shared>> -> memref<128x32xf32, #tpu.memory_space<vmem_shared>>
      %dma_wait3A_105 = arith.constant 0 : i32
      %dma_wait3A_106 = tpu.memref_slice %arg13[%add3A_41, %dma_wait3A_105] : memref<10240x32xf32, #tpu.memory_space<vmem_shared>> -> memref<128x32xf32, #tpu.memory_space<vmem_shared>>
      tpu.wait_dma2 semaphore(%run_scoped3A_98 : memref<!tpu.dma_semaphore, #tpu.memory_space<semaphore_mem>>) src(%arg10 : memref<128x32xf32, #tpu.memory_space<vmem>>) dst(%dma_wait3A_106 : memref<128x32xf32, #tpu.memory_space<vmem_shared>>)
      tpu.yield
    }) : () -> ()
    %dma_wait3A = arith.constant 0 : i32
    %dma_wait3A_42 = arith.constant 0 : i32
    %dma_wait3A_43 = tpu.memref_slice %arg3[%add3A, %dma_wait3A, %dma_wait3A_42] : memref<32x10x1000xi32, #tpu.memory_space<hbm>> -> memref<1x10x1000xi32, #tpu.memory_space<hbm>>
    %dma_wait3A_44 = tpu.memref_squeeze %dma_wait3A_43 : memref<1x10x1000xi32, #tpu.memory_space<hbm>> -> memref<10x1000xi32, #tpu.memory_space<hbm>>
    %dma_wait3A_45 = arith.constant 0 : i32
    %dma_wait3A_46 = arith.constant 0 : i32
    %dma_wait3A_47 = tpu.memref_slice %arg3[%add3A, %dma_wait3A_45, %dma_wait3A_46] : memref<32x10x1000xi32, #tpu.memory_space<hbm>> -> memref<1x10x1000xi32, #tpu.memory_space<hbm>>
    %dma_wait3A_48 = tpu.memref_squeeze %dma_wait3A_47 : memref<1x10x1000xi32, #tpu.memory_space<hbm>> -> memref<10x1000xi32, #tpu.memory_space<hbm>>
    tpu.wait_dma2 semaphore(%arg11 : memref<!tpu.dma_semaphore, #tpu.memory_space<semaphore_mem>>) src(%dma_wait3A_48 : memref<10x1000xi32, #tpu.memory_space<hbm>>) dst(%arg6 : memref<10x1000xi32, #tpu.memory_space<vmem>>)
    %dma_wait3A_49 = arith.constant 0 : i32
    %dma_wait3A_50 = arith.constant 0 : i32
    %dma_wait3A_51 = tpu.memref_slice %arg4[%add3A, %dma_wait3A_49, %dma_wait3A_50] : memref<32x10x1000xi32, #tpu.memory_space<hbm>> -> memref<1x10x1000xi32, #tpu.memory_space<hbm>>
    %dma_wait3A_52 = tpu.memref_squeeze %dma_wait3A_51 : memref<1x10x1000xi32, #tpu.memory_space<hbm>> -> memref<10x1000xi32, #tpu.memory_space<hbm>>
    %dma_wait3A_53 = arith.constant 0 : i32
    %dma_wait3A_54 = arith.constant 0 : i32
    %dma_wait3A_55 = tpu.memref_slice %arg4[%add3A, %dma_wait3A_53, %dma_wait3A_54] : memref<32x10x1000xi32, #tpu.memory_space<hbm>> -> memref<1x10x1000xi32, #tpu.memory_space<hbm>>
    %dma_wait3A_56 = tpu.memref_squeeze %dma_wait3A_55 : memref<1x10x1000xi32, #tpu.memory_space<hbm>> -> memref<10x1000xi32, #tpu.memory_space<hbm>>
    tpu.wait_dma2 semaphore(%arg12 : memref<!tpu.dma_semaphore, #tpu.memory_space<semaphore_mem>>) src(%dma_wait3A_56 : memref<10x1000xi32, #tpu.memory_space<hbm>>) dst(%arg7 : memref<10x1000xi32, #tpu.memory_space<vmem>>)
    %barrier3A = arith.constant 0 : index
    tpu.barrier barrier_id(%barrier3A)
    %dma_start3A_57 = arith.constant 0 : i32
    %dma_start3A_58 = arith.constant 0 : i32
    %dma_start3A_59 = tpu.memref_slice %arg6[%dma_start3A_57, %dma_start3A_58] : memref<10x1000xi32, #tpu.memory_space<vmem>> -> memref<1x1000xi32, #tpu.memory_space<vmem>>
    %dma_start3A_60 = tpu.memref_squeeze %dma_start3A_59 : memref<1x1000xi32, #tpu.memory_space<vmem>> -> memref<1000xi32, #tpu.memory_space<vmem>>
    %dma_start3A_61 = arith.constant 0 : i32
    %dma_start3A_62 = arith.constant 0 : i32
    %dma_start3A_63 = tpu.memref_slice %arg2[%dma_start3A_61, %dma_start3A_62] : memref<10240x32xf32, #tpu.memory_space<hbm>> -> memref<10240x32xf32, #tpu.memory_space<hbm>>
    tpu.enqueue_indirect_dma source(%dma_start3A_63 : memref<10240x32xf32, #tpu.memory_space<hbm>>) target(%arg8 : memref<1000x32xf32, #tpu.memory_space<vmem>>) offsets(%dma_start3A_60 : memref<1000xi32, #tpu.memory_space<vmem>>) semaphore(%arg11 : memref<!tpu.dma_semaphore, #tpu.memory_space<semaphore_mem>>)
    %dma_start3A_64 = arith.constant 1 : i32
    %dma_start3A_65 = arith.constant 0 : i32
    %dma_start3A_66 = tpu.memref_slice %arg6[%dma_start3A_64, %dma_start3A_65] : memref<10x1000xi32, #tpu.memory_space<vmem>> -> memref<1x1000xi32, #tpu.memory_space<vmem>>
    %dma_start3A_67 = tpu.memref_squeeze %dma_start3A_66 : memref<1x1000xi32, #tpu.memory_space<vmem>> -> memref<1000xi32, #tpu.memory_space<vmem>>
    %dma_start3A_68 = arith.constant 0 : i32
    %dma_start3A_69 = arith.constant 0 : i32
    %dma_start3A_70 = tpu.memref_slice %arg2[%dma_start3A_68, %dma_start3A_69] : memref<10240x32xf32, #tpu.memory_space<hbm>> -> memref<10240x32xf32, #tpu.memory_space<hbm>>
    tpu.enqueue_indirect_dma source(%dma_start3A_70 : memref<10240x32xf32, #tpu.memory_space<hbm>>) target(%arg9 : memref<1000x32xf32, #tpu.memory_space<vmem>>) offsets(%dma_start3A_67 : memref<1000xi32, #tpu.memory_space<vmem>>) semaphore(%arg12 : memref<!tpu.dma_semaphore, #tpu.memory_space<semaphore_mem>>)
    %scan3A_71 = arith.constant 0 : i32
    %scan3A_72 = arith.constant 0 : i32
    %scan3A_73 = arith.constant 4 : i32
    %scan3A_74 = arith.addi %scan3A_72, %scan3A_73 : i32
    %scan3A_75 = arith.constant 1 : i32
    %scan3A_76 = scf.for %scan3A_98 = %scan3A_72 to %scan3A_74 step %scan3A_75 iter_args(%scan3A_99 = %scan3A_71) -> (i32)  : i32 {
      %mul3A_100 = arith.constant 2 : i32
      %mul3A_101 = arith.muli %mul3A_100, %scan3A_98 : i32
      %mul3A_102 = arith.constant 2 : i32
      %mul3A_103 = arith.muli %mul3A_102, %scan3A_98 : i32
      %add3A_104 = arith.constant 1 : i32
      %add3A_105 = arith.addi %mul3A_103, %add3A_104 : i32
      %dma_wait3A_106 = arith.constant 0 : i32
      %dma_wait3A_107 = tpu.memref_slice %arg6[%mul3A_101, %dma_wait3A_106] : memref<10x1000xi32, #tpu.memory_space<vmem>> -> memref<1x1000xi32, #tpu.memory_space<vmem>>
      %dma_wait3A_108 = tpu.memref_squeeze %dma_wait3A_107 : memref<1x1000xi32, #tpu.memory_space<vmem>> -> memref<1000xi32, #tpu.memory_space<vmem>>
      %dma_wait3A_109 = arith.constant 0 : i32
      %dma_wait3A_110 = arith.constant 0 : i32
      %dma_wait3A_111 = tpu.memref_slice %arg2[%dma_wait3A_109, %dma_wait3A_110] : memref<10240x32xf32, #tpu.memory_space<hbm>> -> memref<10240x32xf32, #tpu.memory_space<hbm>>
      tpu.wait_indirect_dma semaphore(%arg11 : memref<!tpu.dma_semaphore, #tpu.memory_space<semaphore_mem>>) src(%dma_wait3A_111 : memref<10240x32xf32, #tpu.memory_space<hbm>>) dst(%arg8 : memref<1000x32xf32, #tpu.memory_space<vmem>>)
      "tpu.region"() ({
        %run_scoped3A_135 = tpu.sem_alloc : memref<!tpu.dma_semaphore, #tpu.memory_space<semaphore_mem>>
        %dma_start3A_136 = arith.constant 0 : i32
        %dma_start3A_137 = tpu.memref_slice %arg7[%mul3A_101, %dma_start3A_136] : memref<10x1000xi32, #tpu.memory_space<vmem>> -> memref<1x1000xi32, #tpu.memory_space<vmem>>
        %dma_start3A_138 = tpu.memref_squeeze %dma_start3A_137 : memref<1x1000xi32, #tpu.memory_space<vmem>> -> memref<1000xi32, #tpu.memory_space<vmem>>
        %dma_start3A_139 = arith.constant 0 : i32
        %dma_start3A_140 = arith.constant 0 : i32
        %dma_start3A_141 = tpu.memref_slice %arg13[%dma_start3A_139, %dma_start3A_140] : memref<10240x32xf32, #tpu.memory_space<vmem_shared>> -> memref<10240x32xf32, #tpu.memory_space<vmem_shared>>
        tpu.enqueue_indirect_dma source(%arg8 : memref<1000x32xf32, #tpu.memory_space<vmem>>) target(%dma_start3A_141 : memref<10240x32xf32, #tpu.memory_space<vmem_shared>>) offsets(%dma_start3A_138 : memref<1000xi32, #tpu.memory_space<vmem>>) semaphore(%run_scoped3A_135 : memref<!tpu.dma_semaphore, #tpu.memory_space<semaphore_mem>>) {add = true}
        %dma_wait3A_142 = arith.constant 0 : i32
        %dma_wait3A_143 = tpu.memref_slice %arg7[%mul3A_101, %dma_wait3A_142] : memref<10x1000xi32, #tpu.memory_space<vmem>> -> memref<1x1000xi32, #tpu.memory_space<vmem>>
        %dma_wait3A_144 = tpu.memref_squeeze %dma_wait3A_143 : memref<1x1000xi32, #tpu.memory_space<vmem>> -> memref<1000xi32, #tpu.memory_space<vmem>>
        %dma_wait3A_145 = arith.constant 0 : i32
        %dma_wait3A_146 = arith.constant 0 : i32
        %dma_wait3A_147 = tpu.memref_slice %arg13[%dma_wait3A_145, %dma_wait3A_146] : memref<10240x32xf32, #tpu.memory_space<vmem_shared>> -> memref<10240x32xf32, #tpu.memory_space<vmem_shared>>
        tpu.wait_indirect_dma semaphore(%run_scoped3A_135 : memref<!tpu.dma_semaphore, #tpu.memory_space<semaphore_mem>>) src(%arg8 : memref<1000x32xf32, #tpu.memory_space<vmem>>) dst(%dma_wait3A_147 : memref<10240x32xf32, #tpu.memory_space<vmem_shared>>)
        tpu.yield
      }) : () -> ()
      %add3A_112 = arith.constant 2 : i32
      %add3A_113 = arith.addi %mul3A_101, %add3A_112 : i32
      %dma_start3A_114 = arith.constant 0 : i32
      %dma_start3A_115 = tpu.memref_slice %arg6[%add3A_113, %dma_start3A_114] : memref<10x1000xi32, #tpu.memory_space<vmem>> -> memref<1x1000xi32, #tpu.memory_space<vmem>>
      %dma_start3A_116 = tpu.memref_squeeze %dma_start3A_115 : memref<1x1000xi32, #tpu.memory_space<vmem>> -> memref<1000xi32, #tpu.memory_space<vmem>>
      %dma_start3A_117 = arith.constant 0 : i32
      %dma_start3A_118 = arith.constant 0 : i32
      %dma_start3A_119 = tpu.memref_slice %arg2[%dma_start3A_117, %dma_start3A_118] : memref<10240x32xf32, #tpu.memory_space<hbm>> -> memref<10240x32xf32, #tpu.memory_space<hbm>>
      tpu.enqueue_indirect_dma source(%dma_start3A_119 : memref<10240x32xf32, #tpu.memory_space<hbm>>) target(%arg8 : memref<1000x32xf32, #tpu.memory_space<vmem>>) offsets(%dma_start3A_116 : memref<1000xi32, #tpu.memory_space<vmem>>) semaphore(%arg11 : memref<!tpu.dma_semaphore, #tpu.memory_space<semaphore_mem>>)
      %dma_wait3A_120 = arith.constant 0 : i32
      %dma_wait3A_121 = tpu.memref_slice %arg6[%add3A_105, %dma_wait3A_120] : memref<10x1000xi32, #tpu.memory_space<vmem>> -> memref<1x1000xi32, #tpu.memory_space<vmem>>
      %dma_wait3A_122 = tpu.memref_squeeze %dma_wait3A_121 : memref<1x1000xi32, #tpu.memory_space<vmem>> -> memref<1000xi32, #tpu.memory_space<vmem>>
      %dma_wait3A_123 = arith.constant 0 : i32
      %dma_wait3A_124 = arith.constant 0 : i32
      %dma_wait3A_125 = tpu.memref_slice %arg2[%dma_wait3A_123, %dma_wait3A_124] : memref<10240x32xf32, #tpu.memory_space<hbm>> -> memref<10240x32xf32, #tpu.memory_space<hbm>>
      tpu.wait_indirect_dma semaphore(%arg12 : memref<!tpu.dma_semaphore, #tpu.memory_space<semaphore_mem>>) src(%dma_wait3A_125 : memref<10240x32xf32, #tpu.memory_space<hbm>>) dst(%arg9 : memref<1000x32xf32, #tpu.memory_space<vmem>>)
      "tpu.region"() ({
        %run_scoped3A_135 = tpu.sem_alloc : memref<!tpu.dma_semaphore, #tpu.memory_space<semaphore_mem>>
        %dma_start3A_136 = arith.constant 0 : i32
        %dma_start3A_137 = tpu.memref_slice %arg7[%add3A_105, %dma_start3A_136] : memref<10x1000xi32, #tpu.memory_space<vmem>> -> memref<1x1000xi32, #tpu.memory_space<vmem>>
        %dma_start3A_138 = tpu.memref_squeeze %dma_start3A_137 : memref<1x1000xi32, #tpu.memory_space<vmem>> -> memref<1000xi32, #tpu.memory_space<vmem>>
        %dma_start3A_139 = arith.constant 0 : i32
        %dma_start3A_140 = arith.constant 0 : i32
        %dma_start3A_141 = tpu.memref_slice %arg13[%dma_start3A_139, %dma_start3A_140] : memref<10240x32xf32, #tpu.memory_space<vmem_shared>> -> memref<10240x32xf32, #tpu.memory_space<vmem_shared>>
        tpu.enqueue_indirect_dma source(%arg9 : memref<1000x32xf32, #tpu.memory_space<vmem>>) target(%dma_start3A_141 : memref<10240x32xf32, #tpu.memory_space<vmem_shared>>) offsets(%dma_start3A_138 : memref<1000xi32, #tpu.memory_space<vmem>>) semaphore(%run_scoped3A_135 : memref<!tpu.dma_semaphore, #tpu.memory_space<semaphore_mem>>) {add = true}
        %dma_wait3A_142 = arith.constant 0 : i32
        %dma_wait3A_143 = tpu.memref_slice %arg7[%add3A_105, %dma_wait3A_142] : memref<10x1000xi32, #tpu.memory_space<vmem>> -> memref<1x1000xi32, #tpu.memory_space<vmem>>
        %dma_wait3A_144 = tpu.memref_squeeze %dma_wait3A_143 : memref<1x1000xi32, #tpu.memory_space<vmem>> -> memref<1000xi32, #tpu.memory_space<vmem>>
        %dma_wait3A_145 = arith.constant 0 : i32
        %dma_wait3A_146 = arith.constant 0 : i32
        %dma_wait3A_147 = tpu.memref_slice %arg13[%dma_wait3A_145, %dma_wait3A_146] : memref<10240x32xf32, #tpu.memory_space<vmem_shared>> -> memref<10240x32xf32, #tpu.memory_space<vmem_shared>>
        tpu.wait_indirect_dma semaphore(%run_scoped3A_135 : memref<!tpu.dma_semaphore, #tpu.memory_space<semaphore_mem>>) src(%arg9 : memref<1000x32xf32, #tpu.memory_space<vmem>>) dst(%dma_wait3A_147 : memref<10240x32xf32, #tpu.memory_space<vmem_shared>>)
        tpu.yield
      }) : () -> ()
      %add3A_126 = arith.constant 2 : i32
      %add3A_127 = arith.addi %add3A_105, %add3A_126 : i32
      %dma_start3A_128 = arith.constant 0 : i32
      %dma_start3A_129 = tpu.memref_slice %arg6[%add3A_127, %dma_start3A_128] : memref<10x1000xi32, #tpu.memory_space<vmem>> -> memref<1x1000xi32, #tpu.memory_space<vmem>>
      %dma_start3A_130 = tpu.memref_squeeze %dma_start3A_129 : memref<1x1000xi32, #tpu.memory_space<vmem>> -> memref<1000xi32, #tpu.memory_space<vmem>>
      %dma_start3A_131 = arith.constant 0 : i32
      %dma_start3A_132 = arith.constant 0 : i32
      %dma_start3A_133 = tpu.memref_slice %arg2[%dma_start3A_131, %dma_start3A_132] : memref<10240x32xf32, #tpu.memory_space<hbm>> -> memref<10240x32xf32, #tpu.memory_space<hbm>>
      tpu.enqueue_indirect_dma source(%dma_start3A_133 : memref<10240x32xf32, #tpu.memory_space<hbm>>) target(%arg9 : memref<1000x32xf32, #tpu.memory_space<vmem>>) offsets(%dma_start3A_130 : memref<1000xi32, #tpu.memory_space<vmem>>) semaphore(%arg12 : memref<!tpu.dma_semaphore, #tpu.memory_space<semaphore_mem>>)
      %scan3A_134 = arith.constant 0 : i32
      scf.yield %scan3A_134 : i32
    }
    %scan3A_77 = arith.constant 4 : i32
    %dma_wait3A_78 = arith.constant 8 : i32
    %dma_wait3A_79 = arith.constant 0 : i32
    %dma_wait3A_80 = tpu.memref_slice %arg6[%dma_wait3A_78, %dma_wait3A_79] : memref<10x1000xi32, #tpu.memory_space<vmem>> -> memref<1x1000xi32, #tpu.memory_space<vmem>>
    %dma_wait3A_81 = tpu.memref_squeeze %dma_wait3A_80 : memref<1x1000xi32, #tpu.memory_space<vmem>> -> memref<1000xi32, #tpu.memory_space<vmem>>
    %dma_wait3A_82 = arith.constant 0 : i32
    %dma_wait3A_83 = arith.constant 0 : i32
    %dma_wait3A_84 = tpu.memref_slice %arg2[%dma_wait3A_82, %dma_wait3A_83] : memref<10240x32xf32, #tpu.memory_space<hbm>> -> memref<10240x32xf32, #tpu.memory_space<hbm>>
    tpu.wait_indirect_dma semaphore(%arg11 : memref<!tpu.dma_semaphore, #tpu.memory_space<semaphore_mem>>) src(%dma_wait3A_84 : memref<10240x32xf32, #tpu.memory_space<hbm>>) dst(%arg8 : memref<1000x32xf32, #tpu.memory_space<vmem>>)
    %run_scoped3A = arith.constant 8 : i32
    "tpu.region"() ({
      %run_scoped3A_98 = tpu.sem_alloc : memref<!tpu.dma_semaphore, #tpu.memory_space<semaphore_mem>>
      %dma_start3A_99 = arith.constant 0 : i32
      %dma_start3A_100 = tpu.memref_slice %arg7[%run_scoped3A, %dma_start3A_99] : memref<10x1000xi32, #tpu.memory_space<vmem>> -> memref<1x1000xi32, #tpu.memory_space<vmem>>
      %dma_start3A_101 = tpu.memref_squeeze %dma_start3A_100 : memref<1x1000xi32, #tpu.memory_space<vmem>> -> memref<1000xi32, #tpu.memory_space<vmem>>
      %dma_start3A_102 = arith.constant 0 : i32
      %dma_start3A_103 = arith.constant 0 : i32
      %dma_start3A_104 = tpu.memref_slice %arg13[%dma_start3A_102, %dma_start3A_103] : memref<10240x32xf32, #tpu.memory_space<vmem_shared>> -> memref<10240x32xf32, #tpu.memory_space<vmem_shared>>
      tpu.enqueue_indirect_dma source(%arg8 : memref<1000x32xf32, #tpu.memory_space<vmem>>) target(%dma_start3A_104 : memref<10240x32xf32, #tpu.memory_space<vmem_shared>>) offsets(%dma_start3A_101 : memref<1000xi32, #tpu.memory_space<vmem>>) semaphore(%run_scoped3A_98 : memref<!tpu.dma_semaphore, #tpu.memory_space<semaphore_mem>>) {add = true}
      %dma_wait3A_105 = arith.constant 0 : i32
      %dma_wait3A_106 = tpu.memref_slice %arg7[%run_scoped3A, %dma_wait3A_105] : memref<10x1000xi32, #tpu.memory_space<vmem>> -> memref<1x1000xi32, #tpu.memory_space<vmem>>
      %dma_wait3A_107 = tpu.memref_squeeze %dma_wait3A_106 : memref<1x1000xi32, #tpu.memory_space<vmem>> -> memref<1000xi32, #tpu.memory_space<vmem>>
      %dma_wait3A_108 = arith.constant 0 : i32
      %dma_wait3A_109 = arith.constant 0 : i32
      %dma_wait3A_110 = tpu.memref_slice %arg13[%dma_wait3A_108, %dma_wait3A_109] : memref<10240x32xf32, #tpu.memory_space<vmem_shared>> -> memref<10240x32xf32, #tpu.memory_space<vmem_shared>>
      tpu.wait_indirect_dma semaphore(%run_scoped3A_98 : memref<!tpu.dma_semaphore, #tpu.memory_space<semaphore_mem>>) src(%arg8 : memref<1000x32xf32, #tpu.memory_space<vmem>>) dst(%dma_wait3A_110 : memref<10240x32xf32, #tpu.memory_space<vmem_shared>>)
      tpu.yield
    }) : () -> ()
    %dma_wait3A_85 = arith.constant 9 : i32
    %dma_wait3A_86 = arith.constant 0 : i32
    %dma_wait3A_87 = tpu.memref_slice %arg6[%dma_wait3A_85, %dma_wait3A_86] : memref<10x1000xi32, #tpu.memory_space<vmem>> -> memref<1x1000xi32, #tpu.memory_space<vmem>>
    %dma_wait3A_88 = tpu.memref_squeeze %dma_wait3A_87 : memref<1x1000xi32, #tpu.memory_space<vmem>> -> memref<1000xi32, #tpu.memory_space<vmem>>
    %dma_wait3A_89 = arith.constant 0 : i32
    %dma_wait3A_90 = arith.constant 0 : i32
    %dma_wait3A_91 = tpu.memref_slice %arg2[%dma_wait3A_89, %dma_wait3A_90] : memref<10240x32xf32, #tpu.memory_space<hbm>> -> memref<10240x32xf32, #tpu.memory_space<hbm>>
    tpu.wait_indirect_dma semaphore(%arg12 : memref<!tpu.dma_semaphore, #tpu.memory_space<semaphore_mem>>) src(%dma_wait3A_91 : memref<10240x32xf32, #tpu.memory_space<hbm>>) dst(%arg9 : memref<1000x32xf32, #tpu.memory_space<vmem>>)
    %run_scoped3A_92 = arith.constant 9 : i32
    "tpu.region"() ({
      %run_scoped3A_98 = tpu.sem_alloc : memref<!tpu.dma_semaphore, #tpu.memory_space<semaphore_mem>>
      %dma_start3A_99 = arith.constant 0 : i32
      %dma_start3A_100 = tpu.memref_slice %arg7[%run_scoped3A_92, %dma_start3A_99] : memref<10x1000xi32, #tpu.memory_space<vmem>> -> memref<1x1000xi32, #tpu.memory_space<vmem>>
      %dma_start3A_101 = tpu.memref_squeeze %dma_start3A_100 : memref<1x1000xi32, #tpu.memory_space<vmem>> -> memref<1000xi32, #tpu.memory_space<vmem>>
      %dma_start3A_102 = arith.constant 0 : i32
      %dma_start3A_103 = arith.constant 0 : i32
      %dma_start3A_104 = tpu.memref_slice %arg13[%dma_start3A_102, %dma_start3A_103] : memref<10240x32xf32, #tpu.memory_space<vmem_shared>> -> memref<10240x32xf32, #tpu.memory_space<vmem_shared>>
      tpu.enqueue_indirect_dma source(%arg9 : memref<1000x32xf32, #tpu.memory_space<vmem>>) target(%dma_start3A_104 : memref<10240x32xf32, #tpu.memory_space<vmem_shared>>) offsets(%dma_start3A_101 : memref<1000xi32, #tpu.memory_space<vmem>>) semaphore(%run_scoped3A_98 : memref<!tpu.dma_semaphore, #tpu.memory_space<semaphore_mem>>) {add = true}
      %dma_wait3A_105 = arith.constant 0 : i32
      %dma_wait3A_106 = tpu.memref_slice %arg7[%run_scoped3A_92, %dma_wait3A_105] : memref<10x1000xi32, #tpu.memory_space<vmem>> -> memref<1x1000xi32, #tpu.memory_space<vmem>>
      %dma_wait3A_107 = tpu.memref_squeeze %dma_wait3A_106 : memref<1x1000xi32, #tpu.memory_space<vmem>> -> memref<1000xi32, #tpu.memory_space<vmem>>
      %dma_wait3A_108 = arith.constant 0 : i32
      %dma_wait3A_109 = arith.constant 0 : i32
      %dma_wait3A_110 = tpu.memref_slice %arg13[%dma_wait3A_108, %dma_wait3A_109] : memref<10240x32xf32, #tpu.memory_space<vmem_shared>> -> memref<10240x32xf32, #tpu.memory_space<vmem_shared>>
      tpu.wait_indirect_dma semaphore(%run_scoped3A_98 : memref<!tpu.dma_semaphore, #tpu.memory_space<semaphore_mem>>) src(%arg9 : memref<1000x32xf32, #tpu.memory_space<vmem>>) dst(%dma_wait3A_110 : memref<10240x32xf32, #tpu.memory_space<vmem_shared>>)
      tpu.yield
    }) : () -> ()
    %barrier3A_93 = arith.constant 0 : index
    tpu.barrier barrier_id(%barrier3A_93)
    %mul3A_94 = arith.constant 640 : i32
    %mul3A_95 = arith.muli %arg1, %mul3A_94 : i32
    %mul3A_96 = arith.constant 640 : i32
    %mul3A_97 = arith.muli %arg1, %mul3A_96 : i32
    "tpu.region"() ({
      %run_scoped3A_98 = tpu.sem_alloc : memref<!tpu.dma_semaphore, #tpu.memory_space<semaphore_mem>>
      %dma_start3A_99 = arith.constant 0 : i32
      %dma_start3A_100 = tpu.memref_slice %arg5[%arg0, %mul3A_97, %dma_start3A_99] : memref<2x10240x32xf32, #tpu.memory_space<hbm>> -> memref<1x640x32xf32, #tpu.memory_space<hbm>>
      %dma_start3A_101 = tpu.memref_squeeze %dma_start3A_100 : memref<1x640x32xf32, #tpu.memory_space<hbm>> -> memref<640x32xf32, #tpu.memory_space<hbm>>
      %dma_start3A_102 = arith.constant 0 : i32
      %dma_start3A_103 = tpu.memref_slice %arg13[%mul3A_95, %dma_start3A_102] : memref<10240x32xf32, #tpu.memory_space<vmem_shared>> -> memref<640x32xf32, #tpu.memory_space<vmem_shared>>
      tpu.enqueue_dma source(%dma_start3A_103 : memref<640x32xf32, #tpu.memory_space<vmem_shared>>) target(%dma_start3A_101 : memref<640x32xf32, #tpu.memory_space<hbm>>) target_semaphore(%run_scoped3A_98 : memref<!tpu.dma_semaphore, #tpu.memory_space<semaphore_mem>>)
      %dma_wait3A_104 = arith.constant 0 : i32
      %dma_wait3A_105 = tpu.memref_slice %arg5[%arg0, %mul3A_97, %dma_wait3A_104] : memref<2x10240x32xf32, #tpu.memory_space<hbm>> -> memref<1x640x32xf32, #tpu.memory_space<hbm>>
      %dma_wait3A_106 = tpu.memref_squeeze %dma_wait3A_105 : memref<1x640x32xf32, #tpu.memory_space<hbm>> -> memref<640x32xf32, #tpu.memory_space<hbm>>
      %dma_wait3A_107 = arith.constant 0 : i32
      %dma_wait3A_108 = tpu.memref_slice %arg13[%mul3A_95, %dma_wait3A_107] : memref<10240x32xf32, #tpu.memory_space<vmem_shared>> -> memref<640x32xf32, #tpu.memory_space<vmem_shared>>
      tpu.wait_dma2 semaphore(%run_scoped3A_98 : memref<!tpu.dma_semaphore, #tpu.memory_space<semaphore_mem>>) src(%dma_wait3A_108 : memref<640x32xf32, #tpu.memory_space<vmem_shared>>) dst(%dma_wait3A_106 : memref<640x32xf32, #tpu.memory_space<hbm>>)
      tpu.yield
    }) : () -> ()
    return
  }
}

module attributes {stable_mosaic.version = 14 : i64} {
  func.func @_mm1_body(%arg0: memref<10000x128xf32, #tpu.memory_space<vmem>>, %arg1: memref<128x32xf32, #tpu.memory_space<vmem>>, %arg2: memref<2560x128xf32, #tpu.memory_space<vmem>>) attributes {dimension_semantics = [], scalar_prefetch = 0 : i64, scratch_operands = 0 : i64, tpu.core_type = #tpu.core_type<tc>} {
    %get3A = arith.constant 0 : index
    %get3A_0 = arith.constant 0 : index
    %get3A_1 = vector.load %arg1[%get3A, %get3A_0] : memref<128x32xf32, #tpu.memory_space<vmem>>, vector<128x32xf32>
    %get3A_2 = arith.constant 0 : index
    %get3A_3 = arith.constant 0 : index
    %get3A_4 = vector.load %arg0[%get3A_2, %get3A_3] : memref<10000x128xf32, #tpu.memory_space<vmem>>, vector<2560x128xf32>
    %dot_general3A = arith.constant dense<0.000000e+00> : vector<2560x32xf32>
    %dot_general3A_5 = tpu.matmul %get3A_4, %get3A_1, %dot_general3A {dimension_numbers = #tpu.dot_dimension_numbers<[1], [0], [0], [1], [0, 0, 1, 1], [], []>, transpose_lhs_hint = false} : vector<2560x128xf32>, vector<128x32xf32>, vector<2560x32xf32> -> vector<2560x32xf32>
    %swap3A = arith.constant 0 : index
    %swap3A_6 = arith.constant 0 : index
    %swap3A_7 = vector.load %arg2[%swap3A, %swap3A_6] : memref<2560x128xf32, #tpu.memory_space<vmem>>, vector<2560x32xf32>
    tpu.vector_store %arg2[%swap3A, %swap3A_6], %dot_general3A_5 {strides = array<i32>} : memref<2560x128xf32, #tpu.memory_space<vmem>>, vector<2560x32xf32>,
    %get3A_8 = arith.constant 2560 : index
    %get3A_9 = arith.constant 0 : index
    %get3A_10 = vector.load %arg0[%get3A_8, %get3A_9] : memref<10000x128xf32, #tpu.memory_space<vmem>>, vector<2560x128xf32>
    %dot_general3A_11 = arith.constant dense<0.000000e+00> : vector<2560x32xf32>
    %dot_general3A_12 = tpu.matmul %get3A_10, %get3A_1, %dot_general3A_11 {dimension_numbers = #tpu.dot_dimension_numbers<[1], [0], [0], [1], [0, 0, 1, 1], [], []>, transpose_lhs_hint = false} : vector<2560x128xf32>, vector<128x32xf32>, vector<2560x32xf32> -> vector<2560x32xf32>
    %swap3A_13 = arith.constant 0 : index
    %swap3A_14 = arith.constant 32 : index
    %swap3A_15 = vector.load %arg2[%swap3A_13, %swap3A_14] : memref<2560x128xf32, #tpu.memory_space<vmem>>, vector<2560x32xf32>
    tpu.vector_store %arg2[%swap3A_13, %swap3A_14], %dot_general3A_12 {strides = array<i32>} : memref<2560x128xf32, #tpu.memory_space<vmem>>, vector<2560x32xf32>,
    %get3A_16 = arith.constant 5120 : index
    %get3A_17 = arith.constant 0 : index
    %get3A_18 = vector.load %arg0[%get3A_16, %get3A_17] : memref<10000x128xf32, #tpu.memory_space<vmem>>, vector<2560x128xf32>
    %dot_general3A_19 = arith.constant dense<0.000000e+00> : vector<2560x32xf32>
    %dot_general3A_20 = tpu.matmul %get3A_18, %get3A_1, %dot_general3A_19 {dimension_numbers = #tpu.dot_dimension_numbers<[1], [0], [0], [1], [0, 0, 1, 1], [], []>, transpose_lhs_hint = false} : vector<2560x128xf32>, vector<128x32xf32>, vector<2560x32xf32> -> vector<2560x32xf32>
    %swap3A_21 = arith.constant 0 : index
    %swap3A_22 = arith.constant 64 : index
    %swap3A_23 = vector.load %arg2[%swap3A_21, %swap3A_22] : memref<2560x128xf32, #tpu.memory_space<vmem>>, vector<2560x32xf32>
    tpu.vector_store %arg2[%swap3A_21, %swap3A_22], %dot_general3A_20 {strides = array<i32>} : memref<2560x128xf32, #tpu.memory_space<vmem>>, vector<2560x32xf32>,
    %get3A_24 = arith.constant 7680 : index
    %get3A_25 = arith.constant 0 : index
    %get3A_26 = vector.load %arg0[%get3A_24, %get3A_25] : memref<10000x128xf32, #tpu.memory_space<vmem>>, vector<2320x128xf32>
    %dot_general3A_27 = arith.constant dense<0.000000e+00> : vector<2320x32xf32>
    %dot_general3A_28 = tpu.matmul %get3A_26, %get3A_1, %dot_general3A_27 {dimension_numbers = #tpu.dot_dimension_numbers<[1], [0], [0], [1], [0, 0, 1, 1], [], []>, transpose_lhs_hint = false} : vector<2320x128xf32>, vector<128x32xf32>, vector<2320x32xf32> -> vector<2320x32xf32>
    %swap3A_29 = arith.constant 0 : index
    %swap3A_30 = arith.constant 96 : index
    %swap3A_31 = vector.load %arg2[%swap3A_29, %swap3A_30] : memref<2560x128xf32, #tpu.memory_space<vmem>>, vector<2320x32xf32>
    tpu.vector_store %arg2[%swap3A_29, %swap3A_30], %dot_general3A_28 {strides = array<i32>} : memref<2560x128xf32, #tpu.memory_space<vmem>>, vector<2320x32xf32>,
    return
  }
}

module attributes {stable_mosaic.version = 14 : i64} {
  func.func @_mid_body(%arg0: memref<2560x128xf32, #tpu.memory_space<vmem>>, %arg1: memref<2x2560x128xf32, #tpu.memory_space<vmem>>, %arg2: memref<1x128xf32, #tpu.memory_space<vmem>>, %arg3: memref<128x128xf32, #tpu.memory_space<vmem>>, %arg4: memref<1x128xf32, #tpu.memory_space<vmem>>, %arg5: memref<1x128xf32, #tpu.memory_space<vmem>>, %arg6: memref<1x128xf32, #tpu.memory_space<vmem>>, %arg7: memref<128x128xf32, #tpu.memory_space<vmem>>, %arg8: memref<2560x128xf32, #tpu.memory_space<vmem>>) attributes {dimension_semantics = [], scalar_prefetch = 0 : i64, scratch_operands = 0 : i64, tpu.core_type = #tpu.core_type<tc>} {
    %get3A = arith.constant 0 : index
    %get3A_0 = arith.constant 0 : index
    %get3A_1 = arith.constant 0 : index
    %get3A_2 = vector.load %arg1[%get3A, %get3A_0, %get3A_1] : memref<2x2560x128xf32, #tpu.memory_space<vmem>>, vector<2x2560x128xf32>
    %get3A_3 = arith.constant 0 : index
    %get3A_4 = arith.constant 0 : index
    %get3A_5 = vector.load %arg0[%get3A_3, %get3A_4] : memref<2560x128xf32, #tpu.memory_space<vmem>>, vector<2560x128xf32>
    %slice3A = vector.extract_strided_slice %get3A_2 {offsets = [0, 0, 0], sizes = [1, 2560, 128], strides = [1, 1, 1]} : vector<2x2560x128xf32> to vector<1x2560x128xf32>
    %squeeze3A = vector.shape_cast %slice3A : vector<1x2560x128xf32> to vector<2560x128xf32>
    %add3A = arith.addf %get3A_5, %squeeze3A : vector<2560x128xf32>
    %slice3A_6 = vector.extract_strided_slice %get3A_2 {offsets = [1, 0, 0], sizes = [1, 2560, 128], strides = [1, 1, 1]} : vector<2x2560x128xf32> to vector<1x2560x128xf32>
    %squeeze3A_7 = vector.shape_cast %slice3A_6 : vector<1x2560x128xf32> to vector<2560x128xf32>
    %add3A_8 = arith.addf %add3A, %squeeze3A_7 : vector<2560x128xf32>
    %get3A_9 = arith.constant 0 : index
    %get3A_10 = arith.constant 0 : index
    %get3A_11 = vector.load %arg2[%get3A_9, %get3A_10] : memref<1x128xf32, #tpu.memory_space<vmem>>, vector<1x128xf32>
    %add3A_12 = vector.broadcast %get3A_11 : vector<1x128xf32> to vector<2560x128xf32>
    %add3A_13 = arith.addf %add3A_8, %add3A_12 : vector<2560x128xf32>
    %max3A = arith.constant 0.000000e+00 : f32
    %max3A_14 = vector.broadcast %max3A : f32 to vector<2560x128xf32>
    %max3A_15 = arith.maximumf %add3A_13, %max3A_14 : vector<2560x128xf32>
    %get3A_16 = arith.constant 0 : index
    %get3A_17 = arith.constant 0 : index
    %get3A_18 = vector.load %arg3[%get3A_16, %get3A_17] : memref<128x128xf32, #tpu.memory_space<vmem>>, vector<128x128xf32>
    %dot_general3A = arith.constant dense<0.000000e+00> : vector<2560x128xf32>
    %dot_general3A_19 = tpu.matmul %max3A_15, %get3A_18, %dot_general3A {dimension_numbers = #tpu.dot_dimension_numbers<[1], [0], [0], [1], [0, 0, 1, 1], [], []>, transpose_lhs_hint = false} : vector<2560x128xf32>, vector<128x128xf32>, vector<2560x128xf32> -> vector<2560x128xf32>
    %get3A_20 = arith.constant 0 : index
    %get3A_21 = arith.constant 0 : index
    %get3A_22 = vector.load %arg4[%get3A_20, %get3A_21] : memref<1x128xf32, #tpu.memory_space<vmem>>, vector<1x128xf32>
    %add3A_23 = vector.broadcast %get3A_22 : vector<1x128xf32> to vector<2560x128xf32>
    %add3A_24 = arith.addf %dot_general3A_19, %add3A_23 : vector<2560x128xf32>
    %max3A_25 = arith.constant 0.000000e+00 : f32
    %max3A_26 = vector.broadcast %max3A_25 : f32 to vector<2560x128xf32>
    %max3A_27 = arith.maximumf %add3A_24, %max3A_26 : vector<2560x128xf32>
    %get3A_28 = arith.constant 0 : index
    %get3A_29 = arith.constant 0 : index
    %get3A_30 = vector.load %arg5[%get3A_28, %get3A_29] : memref<1x128xf32, #tpu.memory_space<vmem>>, vector<1x128xf32>
    %mul3A = arith.constant 0.999994993 : f32
    %mul3A_31 = vector.broadcast %mul3A : f32 to vector<1x128xf32>
    %mul3A_32 = arith.mulf %mul3A_31, %get3A_30 : vector<1x128xf32>
    %mul3A_33 = vector.broadcast %mul3A_32 : vector<1x128xf32> to vector<2560x128xf32>
    %mul3A_34 = arith.mulf %max3A_27, %mul3A_33 : vector<2560x128xf32>
    %get3A_35 = arith.constant 0 : index
    %get3A_36 = arith.constant 0 : index
    %get3A_37 = vector.load %arg6[%get3A_35, %get3A_36] : memref<1x128xf32, #tpu.memory_space<vmem>>, vector<1x128xf32>
    %add3A_38 = vector.broadcast %get3A_37 : vector<1x128xf32> to vector<2560x128xf32>
    %add3A_39 = arith.addf %mul3A_34, %add3A_38 : vector<2560x128xf32>
    %get3A_40 = arith.constant 0 : index
    %get3A_41 = arith.constant 0 : index
    %get3A_42 = vector.load %arg7[%get3A_40, %get3A_41] : memref<128x128xf32, #tpu.memory_space<vmem>>, vector<128x128xf32>
    %dot_general3A_43 = arith.constant dense<0.000000e+00> : vector<2560x128xf32>
    %dot_general3A_44 = tpu.matmul %add3A_39, %get3A_42, %dot_general3A_43 {dimension_numbers = #tpu.dot_dimension_numbers<[1], [0], [0], [1], [0, 0, 1, 1], [], []>, transpose_lhs_hint = false} : vector<2560x128xf32>, vector<128x128xf32>, vector<2560x128xf32> -> vector<2560x128xf32>
    %swap3A = arith.constant 0 : index
    %swap3A_45 = arith.constant 0 : index
    %swap3A_46 = vector.load %arg8[%swap3A, %swap3A_45] : memref<2560x128xf32, #tpu.memory_space<vmem>>, vector<2560x128xf32>
    tpu.vector_store %arg8[%swap3A, %swap3A_45], %dot_general3A_44 {strides = array<i32>} : memref<2560x128xf32, #tpu.memory_space<vmem>>, vector<2560x128xf32>,
    return
  }
}

module attributes {stable_mosaic.version = 14 : i64} {
  func.func @_fin_body(%arg0: memref<2560x128xf32, #tpu.memory_space<vmem>>, %arg1: memref<2x2560x128xf32, #tpu.memory_space<vmem>>, %arg2: memref<1x128xf32, #tpu.memory_space<vmem>>, %arg3: memref<128x128xf32, #tpu.memory_space<vmem>>, %arg4: memref<1x128xf32, #tpu.memory_space<vmem>>, %arg5: memref<1x128xf32, #tpu.memory_space<vmem>>, %arg6: memref<1x128xf32, #tpu.memory_space<vmem>>, %arg7: memref<128x128xf32, #tpu.memory_space<vmem>>, %arg8: memref<1x128xf32, #tpu.memory_space<vmem>>, %arg9: memref<128x64xf32, #tpu.memory_space<vmem>>, %arg10: memref<1x64xf32, #tpu.memory_space<vmem>>, %arg11: memref<10000x16xf32, #tpu.memory_space<vmem>>) attributes {dimension_semantics = [], scalar_prefetch = 0 : i64, scratch_operands = 0 : i64, tpu.core_type = #tpu.core_type<tc>} {
    %get3A = arith.constant 0 : index
    %get3A_0 = arith.constant 0 : index
    %get3A_1 = arith.constant 0 : index
    %get3A_2 = vector.load %arg1[%get3A, %get3A_0, %get3A_1] : memref<2x2560x128xf32, #tpu.memory_space<vmem>>, vector<2x2560x128xf32>
    %get3A_3 = arith.constant 0 : index
    %get3A_4 = arith.constant 0 : index
    %get3A_5 = vector.load %arg0[%get3A_3, %get3A_4] : memref<2560x128xf32, #tpu.memory_space<vmem>>, vector<2560x128xf32>
    %slice3A = vector.extract_strided_slice %get3A_2 {offsets = [0, 0, 0], sizes = [1, 2560, 128], strides = [1, 1, 1]} : vector<2x2560x128xf32> to vector<1x2560x128xf32>
    %squeeze3A = vector.shape_cast %slice3A : vector<1x2560x128xf32> to vector<2560x128xf32>
    %add3A = arith.addf %get3A_5, %squeeze3A : vector<2560x128xf32>
    %slice3A_6 = vector.extract_strided_slice %get3A_2 {offsets = [1, 0, 0], sizes = [1, 2560, 128], strides = [1, 1, 1]} : vector<2x2560x128xf32> to vector<1x2560x128xf32>
    %squeeze3A_7 = vector.shape_cast %slice3A_6 : vector<1x2560x128xf32> to vector<2560x128xf32>
    %add3A_8 = arith.addf %add3A, %squeeze3A_7 : vector<2560x128xf32>
    %get3A_9 = arith.constant 0 : index
    %get3A_10 = arith.constant 0 : index
    %get3A_11 = vector.load %arg2[%get3A_9, %get3A_10] : memref<1x128xf32, #tpu.memory_space<vmem>>, vector<1x128xf32>
    %add3A_12 = vector.broadcast %get3A_11 : vector<1x128xf32> to vector<2560x128xf32>
    %add3A_13 = arith.addf %add3A_8, %add3A_12 : vector<2560x128xf32>
    %max3A = arith.constant 0.000000e+00 : f32
    %max3A_14 = vector.broadcast %max3A : f32 to vector<2560x128xf32>
    %max3A_15 = arith.maximumf %add3A_13, %max3A_14 : vector<2560x128xf32>
    %get3A_16 = arith.constant 0 : index
    %get3A_17 = arith.constant 0 : index
    %get3A_18 = vector.load %arg3[%get3A_16, %get3A_17] : memref<128x128xf32, #tpu.memory_space<vmem>>, vector<128x128xf32>
    %dot_general3A = arith.constant dense<0.000000e+00> : vector<2560x128xf32>
    %dot_general3A_19 = tpu.matmul %max3A_15, %get3A_18, %dot_general3A {dimension_numbers = #tpu.dot_dimension_numbers<[1], [0], [0], [1], [0, 0, 1, 1], [], []>, transpose_lhs_hint = false} : vector<2560x128xf32>, vector<128x128xf32>, vector<2560x128xf32> -> vector<2560x128xf32>
    %get3A_20 = arith.constant 0 : index
    %get3A_21 = arith.constant 0 : index
    %get3A_22 = vector.load %arg4[%get3A_20, %get3A_21] : memref<1x128xf32, #tpu.memory_space<vmem>>, vector<1x128xf32>
    %add3A_23 = vector.broadcast %get3A_22 : vector<1x128xf32> to vector<2560x128xf32>
    %add3A_24 = arith.addf %dot_general3A_19, %add3A_23 : vector<2560x128xf32>
    %max3A_25 = arith.constant 0.000000e+00 : f32
    %max3A_26 = vector.broadcast %max3A_25 : f32 to vector<2560x128xf32>
    %max3A_27 = arith.maximumf %add3A_24, %max3A_26 : vector<2560x128xf32>
    %get3A_28 = arith.constant 0 : index
    %get3A_29 = arith.constant 0 : index
    %get3A_30 = vector.load %arg5[%get3A_28, %get3A_29] : memref<1x128xf32, #tpu.memory_space<vmem>>, vector<1x128xf32>
    %mul3A = arith.constant 0.999994993 : f32
    %mul3A_31 = vector.broadcast %mul3A : f32 to vector<1x128xf32>
    %mul3A_32 = arith.mulf %mul3A_31, %get3A_30 : vector<1x128xf32>
    %mul3A_33 = vector.broadcast %mul3A_32 : vector<1x128xf32> to vector<2560x128xf32>
    %mul3A_34 = arith.mulf %max3A_27, %mul3A_33 : vector<2560x128xf32>
    %get3A_35 = arith.constant 0 : index
    %get3A_36 = arith.constant 0 : index
    %get3A_37 = vector.load %arg6[%get3A_35, %get3A_36] : memref<1x128xf32, #tpu.memory_space<vmem>>, vector<1x128xf32>
    %add3A_38 = vector.broadcast %get3A_37 : vector<1x128xf32> to vector<2560x128xf32>
    %add3A_39 = arith.addf %mul3A_34, %add3A_38 : vector<2560x128xf32>
    %get3A_40 = arith.constant 0 : index
    %get3A_41 = arith.constant 0 : index
    %get3A_42 = vector.load %arg7[%get3A_40, %get3A_41] : memref<128x128xf32, #tpu.memory_space<vmem>>, vector<128x128xf32>
    %dot_general3A_43 = arith.constant dense<0.000000e+00> : vector<2560x128xf32>
    %dot_general3A_44 = tpu.matmul %add3A_39, %get3A_42, %dot_general3A_43 {dimension_numbers = #tpu.dot_dimension_numbers<[1], [0], [0], [1], [0, 0, 1, 1], [], []>, transpose_lhs_hint = false} : vector<2560x128xf32>, vector<128x128xf32>, vector<2560x128xf32> -> vector<2560x128xf32>
    %get3A_45 = arith.constant 0 : index
    %get3A_46 = arith.constant 0 : index
    %get3A_47 = vector.load %arg8[%get3A_45, %get3A_46] : memref<1x128xf32, #tpu.memory_space<vmem>>, vector<1x128xf32>
    %add3A_48 = vector.broadcast %get3A_47 : vector<1x128xf32> to vector<2560x128xf32>
    %add3A_49 = arith.addf %dot_general3A_44, %add3A_48 : vector<2560x128xf32>
    %max3A_50 = arith.constant 0.000000e+00 : f32
    %max3A_51 = vector.broadcast %max3A_50 : f32 to vector<2560x128xf32>
    %max3A_52 = arith.maximumf %add3A_49, %max3A_51 : vector<2560x128xf32>
    %get3A_53 = arith.constant 0 : index
    %get3A_54 = arith.constant 0 : index
    %get3A_55 = vector.load %arg9[%get3A_53, %get3A_54] : memref<128x64xf32, #tpu.memory_space<vmem>>, vector<128x64xf32>
    %dot_general3A_56 = arith.constant dense<0.000000e+00> : vector<2560x64xf32>
    %dot_general3A_57 = tpu.matmul %max3A_52, %get3A_55, %dot_general3A_56 {dimension_numbers = #tpu.dot_dimension_numbers<[1], [0], [0], [1], [0, 0, 1, 1], [], []>, transpose_lhs_hint = false} : vector<2560x128xf32>, vector<128x64xf32>, vector<2560x64xf32> -> vector<2560x64xf32>
    %get3A_58 = arith.constant 0 : index
    %get3A_59 = arith.constant 0 : index
    %get3A_60 = vector.load %arg10[%get3A_58, %get3A_59] : memref<1x64xf32, #tpu.memory_space<vmem>>, vector<1x64xf32>
    %add3A_61 = vector.broadcast %get3A_60 : vector<1x64xf32> to vector<2560x64xf32>
    %add3A_62 = arith.addf %dot_general3A_57, %add3A_61 : vector<2560x64xf32>
    %slice3A_63 = vector.extract_strided_slice %add3A_62 {offsets = [0, 0], sizes = [2560, 16], strides = [1, 1]} : vector<2560x64xf32> to vector<2560x16xf32>
    %reduce_max3A = arith.constant dense<0xFF800000> : vector<2560xf32>
    %reduce_max3A_64 = vector.multi_reduction <maximumf>, %slice3A_63, %reduce_max3A [1] : vector<2560x16xf32> to vector<2560xf32>
    %broadcast_in_dim3A = vector.shape_cast %reduce_max3A_64 : vector<2560xf32> to vector<2560x1xf32>
    %sub3A = vector.broadcast %broadcast_in_dim3A : vector<2560x1xf32> to vector<2560x16xf32>
    %sub3A_65 = arith.subf %slice3A_63, %sub3A : vector<2560x16xf32>
    %exp3A = math.exp %sub3A_65 : vector<2560x16xf32>
    %reduce_sum3A = arith.constant dense<0.000000e+00> : vector<2560xf32>
    %reduce_sum3A_66 = vector.multi_reduction <add>, %exp3A, %reduce_sum3A [1] : vector<2560x16xf32> to vector<2560xf32>
    %broadcast_in_dim3A_67 = vector.shape_cast %reduce_sum3A_66 : vector<2560xf32> to vector<2560x1xf32>
    %log3A = math.log %broadcast_in_dim3A_67 : vector<2560x1xf32>
    %sub3A_68 = vector.broadcast %log3A : vector<2560x1xf32> to vector<2560x16xf32>
    %sub3A_69 = arith.subf %sub3A_65, %sub3A_68 : vector<2560x16xf32>
    %swap3A = arith.constant 0 : index
    %swap3A_70 = arith.constant 0 : index
    %swap3A_71 = vector.load %arg11[%swap3A, %swap3A_70] : memref<10000x16xf32, #tpu.memory_space<vmem>>, vector<2560x16xf32>
    tpu.vector_store %arg11[%swap3A, %swap3A_70], %sub3A_69 {strides = array<i32>} : memref<10000x16xf32, #tpu.memory_space<vmem>>, vector<2560x16xf32>,
    %slice3A_72 = vector.extract_strided_slice %add3A_62 {offsets = [0, 16], sizes = [2560, 16], strides = [1, 1]} : vector<2560x64xf32> to vector<2560x16xf32>
    %reduce_max3A_73 = arith.constant dense<0xFF800000> : vector<2560xf32>
    %reduce_max3A_74 = vector.multi_reduction <maximumf>, %slice3A_72, %reduce_max3A_73 [1] : vector<2560x16xf32> to vector<2560xf32>
    %broadcast_in_dim3A_75 = vector.shape_cast %reduce_max3A_74 : vector<2560xf32> to vector<2560x1xf32>
    %sub3A_76 = vector.broadcast %broadcast_in_dim3A_75 : vector<2560x1xf32> to vector<2560x16xf32>
    %sub3A_77 = arith.subf %slice3A_72, %sub3A_76 : vector<2560x16xf32>
    %exp3A_78 = math.exp %sub3A_77 : vector<2560x16xf32>
    %reduce_sum3A_79 = arith.constant dense<0.000000e+00> : vector<2560xf32>
    %reduce_sum3A_80 = vector.multi_reduction <add>, %exp3A_78, %reduce_sum3A_79 [1] : vector<2560x16xf32> to vector<2560xf32>
    %broadcast_in_dim3A_81 = vector.shape_cast %reduce_sum3A_80 : vector<2560xf32> to vector<2560x1xf32>
    %log3A_82 = math.log %broadcast_in_dim3A_81 : vector<2560x1xf32>
    %sub3A_83 = vector.broadcast %log3A_82 : vector<2560x1xf32> to vector<2560x16xf32>
    %sub3A_84 = arith.subf %sub3A_77, %sub3A_83 : vector<2560x16xf32>
    %swap3A_85 = arith.constant 2560 : index
    %swap3A_86 = arith.constant 0 : index
    %swap3A_87 = vector.load %arg11[%swap3A_85, %swap3A_86] : memref<10000x16xf32, #tpu.memory_space<vmem>>, vector<2560x16xf32>
    tpu.vector_store %arg11[%swap3A_85, %swap3A_86], %sub3A_84 {strides = array<i32>} : memref<10000x16xf32, #tpu.memory_space<vmem>>, vector<2560x16xf32>,
    %slice3A_88 = vector.extract_strided_slice %add3A_62 {offsets = [0, 32], sizes = [2560, 16], strides = [1, 1]} : vector<2560x64xf32> to vector<2560x16xf32>
    %reduce_max3A_89 = arith.constant dense<0xFF800000> : vector<2560xf32>
    %reduce_max3A_90 = vector.multi_reduction <maximumf>, %slice3A_88, %reduce_max3A_89 [1] : vector<2560x16xf32> to vector<2560xf32>
    %broadcast_in_dim3A_91 = vector.shape_cast %reduce_max3A_90 : vector<2560xf32> to vector<2560x1xf32>
    %sub3A_92 = vector.broadcast %broadcast_in_dim3A_91 : vector<2560x1xf32> to vector<2560x16xf32>
    %sub3A_93 = arith.subf %slice3A_88, %sub3A_92 : vector<2560x16xf32>
    %exp3A_94 = math.exp %sub3A_93 : vector<2560x16xf32>
    %reduce_sum3A_95 = arith.constant dense<0.000000e+00> : vector<2560xf32>
    %reduce_sum3A_96 = vector.multi_reduction <add>, %exp3A_94, %reduce_sum3A_95 [1] : vector<2560x16xf32> to vector<2560xf32>
    %broadcast_in_dim3A_97 = vector.shape_cast %reduce_sum3A_96 : vector<2560xf32> to vector<2560x1xf32>
    %log3A_98 = math.log %broadcast_in_dim3A_97 : vector<2560x1xf32>
    %sub3A_99 = vector.broadcast %log3A_98 : vector<2560x1xf32> to vector<2560x16xf32>
    %sub3A_100 = arith.subf %sub3A_93, %sub3A_99 : vector<2560x16xf32>
    %swap3A_101 = arith.constant 5120 : index
    %swap3A_102 = arith.constant 0 : index
    %swap3A_103 = vector.load %arg11[%swap3A_101, %swap3A_102] : memref<10000x16xf32, #tpu.memory_space<vmem>>, vector<2560x16xf32>
    tpu.vector_store %arg11[%swap3A_101, %swap3A_102], %sub3A_100 {strides = array<i32>} : memref<10000x16xf32, #tpu.memory_space<vmem>>, vector<2560x16xf32>,
    %slice3A_104 = vector.extract_strided_slice %add3A_62 {offsets = [0, 48], sizes = [2560, 16], strides = [1, 1]} : vector<2560x64xf32> to vector<2560x16xf32>
    %reduce_max3A_105 = arith.constant dense<0xFF800000> : vector<2560xf32>
    %reduce_max3A_106 = vector.multi_reduction <maximumf>, %slice3A_104, %reduce_max3A_105 [1] : vector<2560x16xf32> to vector<2560xf32>
    %broadcast_in_dim3A_107 = vector.shape_cast %reduce_max3A_106 : vector<2560xf32> to vector<2560x1xf32>
    %sub3A_108 = vector.broadcast %broadcast_in_dim3A_107 : vector<2560x1xf32> to vector<2560x16xf32>
    %sub3A_109 = arith.subf %slice3A_104, %sub3A_108 : vector<2560x16xf32>
    %exp3A_110 = math.exp %sub3A_109 : vector<2560x16xf32>
    %reduce_sum3A_111 = arith.constant dense<0.000000e+00> : vector<2560xf32>
    %reduce_sum3A_112 = vector.multi_reduction <add>, %exp3A_110, %reduce_sum3A_111 [1] : vector<2560x16xf32> to vector<2560xf32>
    %broadcast_in_dim3A_113 = vector.shape_cast %reduce_sum3A_112 : vector<2560xf32> to vector<2560x1xf32>
    %log3A_114 = math.log %broadcast_in_dim3A_113 : vector<2560x1xf32>
    %sub3A_115 = vector.broadcast %log3A_114 : vector<2560x1xf32> to vector<2560x16xf32>
    %sub3A_116 = arith.subf %sub3A_109, %sub3A_115 : vector<2560x16xf32>
    %slice3A_117 = vector.extract_strided_slice %sub3A_116 {offsets = [0, 0], sizes = [2320, 16], strides = [1, 1]} : vector<2560x16xf32> to vector<2320x16xf32>
    %swap3A_118 = arith.constant 7680 : index
    %swap3A_119 = arith.constant 0 : index
    %swap3A_120 = vector.load %arg11[%swap3A_118, %swap3A_119] : memref<10000x16xf32, #tpu.memory_space<vmem>>, vector<2320x16xf32>
    tpu.vector_store %arg11[%swap3A_118, %swap3A_119], %slice3A_117 {strides = array<i32>} : memref<10000x16xf32, #tpu.memory_space<vmem>>, vector<2320x16xf32>,
    return
  }
}

</mosaic_0001>

<sc_bundles>
// kernel: kernel.10.cloned.1.call-start
scs
__scs_entry_jumppad:
0x0: {  	(pc) =	sbr.rel $0x88, $3  }
0x1: {  	(tag) =	ssettag $0x0;
	lr =	simm.s32 $0x1  }
0x2: {  	[smem:$0x3F8F] =	sst lr;
	_ =	strace $0xD0000000  }
0x3: {  	_ = 	snop  }
0x4: {  	_ = 	snop  }
0x5: {  	_ = 	snop  }
0x6: {  	_ = 	snop  }
0x7: {  	_ = 	snop  }
__scs_overlays_trampoline_lowered:
0x8: {  	[smem:$0x3F9E] =	sst s0  }
0x9: {  	[smem:$0x3F9F] =	sst s1  }
0xa: {  	[smem:$0x3FA0] =	sst s2  }
0xb: {  	[smem:$0x3FA1] =	sst s3  }
0xc: {  	[smem:$0x3FA2] =	sst s4  }
0xd: {  	[smem:$0x3FA3] =	sst s5  }
0xe: {  	[smem:$0x3FA4] =	sst s6  }
0xf: {  	[smem:$0x3FA5] =	sst s7  }
0x10: {  	[smem:$0x3FA6] =	sst s8  }
0x11: {  	[smem:$0x3FA7] =	sst s9;
	s0 =	simm.s32 @!p0 $0x0  }
0x12: {  	s1 =	sld [smem:$0x3F8D];
	s0 =	simm.s32 @p0 $0x1  }
0x13: {  	[smem:$0x3FA8] =	sst s0;
	s0 =	simm.s32 @!p1 $0x0  }
0x14: {  	s2 =	sld [smem:$0x3F8C];
	s0 =	simm.s32 @p1 $0x1  }
0x15: {  	[smem:$0x3FA9] =	sst s0;
	s0 =	simm.s32 @!p2 $0x0  }
0x16: {  	s3 =	sld [smem:$0x3FDB];
	s0 =	simm.s32 @p2 $0x1  }
0x17: {  	s4 =	simm.s32 $0x1BF5;
	[smem:$0x3FAB] =	sst s0  }
0x18: {  	s0 =	sld [smem:$0x3F8E];
	_ =	swait.ge [sflag:s4], $0x0  }
0x19: {  	s7 =	sld [smem:$0x3F8F]  }
0x1a: {  	s8 =	sadd.s32 $0xFFFFE003, lr  }
0x1b: {  	s9 =	sadd.s32 $0xFFFFFEF7, lr;
	s5 =	simm.s32 $0xFFFFFFFF;
	p2 =	slt.u32 s8, $0xFFFFF086  }
0x1c: {  	p1 =	slt.u32 s9, $0xF7A;
	s5 =	simm.s32 @!p2 $0x0  }
0x1d: {  	s5 =	simm.s32 @p1 $0x1;
	p0 =	seq.s32 s7, s2  }
0x1e: {  	s7 =	smul.u32 @!p0 $0xF7A, s2;
	p2 =	seq.s32 @!p0 s5, $0x0  }
0x1f: {  	s9 =	smul.u32 $0xF7A, s1;
	s8 =	simm.s32 @!p0 $0x1BF5;
	p2 =	por !p2, p0  }
0x20: {  	[sflag:s8] =	ssyncset.s32 @!p0 $0xFFFFF086;
	s6 =	sadd.s32 @!p0 s3, s7;
	s7 =	simm.s32 @!p0 $0x108  }
0x21: {  	s3 =	sadd.s32 s3, s9;
	s6 =	sadd.s32 @!p0 $0x88, s6;
	s7 =	simm.s32 @p2 $0x1082  }
0x22: {  	[simem:s7], [sflag:s8] =	dma.local @!p0 [hbm:s6], $0xF7A  }
0x23: {  	s9 =	sor.u32 $0xD0000000, s2;
	s6 =	simm.s32 $0x108;
	_ =	swait.ge @!p0 [sflag:s8], $0x0  }
0x24: {  	s3 =	sadd.s32 $0x88, s3;
	s6 =	simm.s32 @!p1 $0x1082;
	[sflag:s4] =	ssyncset.s32 $0xFFFFF086  }
0x25: {  	[simem:s6], [sflag:s4] =	dma.local [hbm:s3], $0xF7A  }
0x26: {  	[smem:$0x3F8F] =	sst s1;
	(tag) =	ssettag s2;
	_ =	strace s9  }
0x27: {  	s1 =	sld [smem:$0x3F9F]  }
0x28: {  	s2 =	sld [smem:$0x3FA0]  }
0x29: {  	s4 =	sld [smem:$0x3FA2]  }
0x2a: {  	p0 =	seq.s32 s5, $0x0;
	s5 =	sld [smem:$0x3FA3]  }
0x2b: {  	s6 =	sld [smem:$0x3FA4]  }
0x2c: {  	s7 =	sld [smem:$0x3FA5]  }
0x2d: {  	s3 =	simm.s32 $0x108;
	s8 =	sld [smem:$0x3FA6]  }
0x2e: {  	s3 =	simm.s32 @!p0 $0x1082;
	s9 =	sld [smem:$0x3FA7]  }
0x2f: {  	lr =	sadd.s32 s0, s3;
	s0 =	sld [smem:$0x3F9E]  }
0x30: {  	s3 =	sld [smem:$0x3FA1]  }
0x31: {  	[smem:$0x3FAA] =	sst s10  }
0x32: {  	s10 =	sld [smem:$0x3FA8];
	_ =	sdelay $0x3  }
0x33: {  	p0 =	seq.s32 s10, $0x1;
	s10 =	sld [smem:$0x3FAA];
	_ =	sdelay $0x3  }
0x34: {  	[smem:$0x3FAA] =	sst s10  }
0x35: {  	s10 =	sld [smem:$0x3FA9];
	_ =	sdelay $0x3  }
0x36: {  	p1 =	seq.s32 s10, $0x1;
	s10 =	sld [smem:$0x3FAA];
	_ =	sdelay $0x3  }
0x37: {  	[smem:$0x3FAA] =	sst s10  }
0x38: {  	s10 =	sld [smem:$0x3FAB]  }
0x39: {  	_ = 	snop;
	(pc) =	sbr.ind lr, $3  }
0x3a: {  	_ = 	snop  }
0x3b: {  	_ = 	snop  }
0x3c: {  	p2 =	seq.s32 s10, $0x1;
	s10 =	sld [smem:$0x3FAA]  }
0x3d: {  	_ =	shalt  }
0x3e: {  	_ =	shalt  }
0x3f: {  	_ =	shalt  }
0x40: {  	_ =	shalt  }
0x41: {  	_ =	shalt  }
0x42: {  	_ =	shalt  }
0x43: {  	_ =	shalt  }
0x44: {  	_ =	shalt  }
0x45: {  	_ =	shalt  }
0x46: {  	_ =	shalt  }
0x47: {  	_ =	shalt  }
0x48: {  	_ =	shalt  }
0x49: {  	_ =	shalt  }
0x4a: {  	_ =	shalt  }
0x4b: {  	_ =	shalt  }
0x4c: {  	_ =	shalt  }
0x4d: {  	_ =	shalt  }
0x4e: {  	_ =	shalt  }
0x4f: {  	_ =	shalt  }
0x50: {  	_ =	shalt  }
0x51: {  	_ =	shalt  }
0x52: {  	_ =	shalt  }
0x53: {  	_ =	shalt  }
0x54: {  	_ =	shalt  }
0x55: {  	_ =	shalt  }
0x56: {  	_ =	shalt  }
0x57: {  	_ =	shalt  }
0x58: {  	_ =	shalt  }
0x59: {  	_ =	shalt  }
0x5a: {  	_ =	shalt  }
0x5b: {  	_ =	shalt  }
0x5c: {  	_ =	shalt  }
0x5d: {  	_ =	shalt  }
0x5e: {  	_ =	shalt  }
0x5f: {  	_ =	shalt  }
0x60: {  	_ =	shalt  }
0x61: {  	_ =	shalt  }
0x62: {  	_ =	shalt  }
0x63: {  	_ =	shalt  }
0x64: {  	_ =	shalt  }
0x65: {  	_ =	shalt  }
0x66: {  	_ =	shalt  }
0x67: {  	_ =	shalt  }
0x68: {  	_ =	shalt  }
0x69: {  	_ =	shalt  }
0x6a: {  	_ =	shalt  }
0x6b: {  	_ =	shalt  }
0x6c: {  	_ =	shalt  }
0x6d: {  	_ =	shalt  }
0x6e: {  	_ =	shalt  }
0x6f: {  	_ =	shalt  }
0x70: {  	_ =	shalt  }
0x71: {  	_ =	shalt  }
0x72: {  	_ =	shalt  }
0x73: {  	_ =	shalt  }
0x74: {  	_ =	shalt  }
0x75: {  	_ =	shalt  }
0x76: {  	_ =	shalt  }
0x77: {  	_ =	shalt  }
0x78: {  	_ =	shalt  }
0x79: {  	_ =	shalt  }
0x7a: {  	_ =	shalt  }
0x7b: {  	_ =	shalt  }
0x7c: {  	_ =	shalt  }
0x7d: {  	_ =	shalt  }
0x7e: {  	_ =	shalt  }
0x7f: {  	_ =	shalt  }
0x80: {  	_ =	shalt  }
0x81: {  	_ =	shalt  }
0x82: {  	_ =	shalt  }
0x83: {  	_ =	shalt  }
0x84: {  	_ =	shalt  }
0x85: {  	_ =	shalt  }
0x86: {  	_ =	shalt  }
0x87: {  	_ =	shalt  }
.Lfunc_end0:
.L_simem_size_0:
called_computation.1_lowered:
.L_overlay_start_0:
0x88: {  	s2 =	sld [smem:$0x3FD9]  }
0x89: {  	s3 =	sld [smem:$0x3FFE];
	_ =	sdelay $0x1  }
0x8a: {  	s1 =	srdreg.scid  }
0x8b: {  	s0 =	sand.u32 $0x1, s1  }
0x8c: {  	s16 =	sshll.u32 s0, $0xA;
	s2 =	sadd.s32 s3, s2  }
0x8d: {  	s2 =	sadd.s32 s2, s16  }
0x8e: {  	[smem:$0x3FB6] =	sst s2  }
0x8f: {  	_ = 	snop  }
0x90: {  	(tm) =	ssettm $0x1  }
0x91: {  	s17 =	sld [smem:$0x3FFB];
	_ =	sdelay $0x3  }
0x92: {  	_ =	strace s17  }
0x93: {  	s2 =	sld [smem:$0x3FFC];
	_ =	sdelay $0x3  }
0x94: {  	_ =	strace s2  }
0x95: {  	s2 =	sld [smem:$0x3FFD];
	_ =	sdelay $0x3  }
0x96: {  	_ =	strace s2  }
0x97: {  	_ =	strace $0x8FFFFFFF  }
0x98: {  	s18 =	sld [smem:$0x3FDB];
	_ =	sdelay $0x1  }
0x99: {  	s19 =	simm.s32 $_scs_section_size  }
0x9a: {  	s4 =	simm.s32 $_size__tile_overlayer_lowered;
	s5 =	simm.s32 $_tile_overlayer_lowered  }
0x9b: {  	s22 =	simm.s32 $0x1BFF;
	s21 =	sshll.u32 s5, $0x1;
	s2 =	sadd.s32 s19, s18  }
0x9c: {  	s6 =	simm.s32 $0x0;
	s20 =	sshll.u32 s4, $0x1;
	s4 =	sadd.s32 s21, s2  }
0x9d: {  	[timem:s6], [sflag:s22] =	dma.local [hbm:s4], s20  }
0x9e: {  	_ =	swait.ge [sflag:s22], s20  }
0x9f: {  	s3 =	ssub.s32 $0x0, s20;
	[sflag:s22] =	ssyncset.done $0x0  }
0xa0: {  	[sflag:s22] =	ssyncadd.s32 s3;
	_ =	sdelay $0x1  }
0xa1: {  	s23 =	simm.s32 $0x1B8B  }
0xa2: {  	_ =	swait.ge [sflag:s23], $0x1  }
0xa3: {  	[sflag:s23] =	ssyncset.done $0x0  }
0xa4: {  	s25 =	simm.s32 $0x1B8E;
	s24 =	sld [smem:$0x3FFE];
	[sflag:s23] =	ssyncadd.s32 $0xFFFFFFFF  }
0xa5: {  	s26 =	simm.s32 $execute0_lowered;
	[smem:$0x3FD2] =	sst s25  }
0xa6: {  	s4 =	sshll.u32 s26, $0x1;
	_ =	strace $0x80000049;
	[dreg:$0x1] =	wrdreg $0xFFFFFFFF  }
0xa7: {  	s28 =	simm.s32 $_size_execute0_lowered;
	s2 =	sadd.s32 s2, s4;
	[dreg:$0x0] =	wrdreg $0x0  }
0xa8: {  	s4 =	sshll.u32 s28, $0x1;
	[dreg:$0x2] =	wrdreg s2  }
0xa9: {  	[dreg:$0x3] =	wrdreg s4  }
0xaa: {  	[dreg:$0x4] =	wrdreg $0xC0  }
0xab: {  	_ =	task [dreg:s6], $0x5FFFF  }
0xac: {  	[dreg:$0x1] =	wrdreg $0xFFFFFFFF  }
0xad: {  	[dreg:$0x0] =	wrdreg $0x60  }
0xae: {  	[dreg:$0x2] =	wrdreg s24  }
0xaf: {  	[dreg:$0x3] =	wrdreg $0x158200  }
0xb0: {  	[dreg:$0x4] =	wrdreg $0x9  }
0xb1: {  	_ =	task.clear_ibuf [dreg:s6], $0x5FFFF;
	_ =	strace $0x90000049  }
0xb2: {  	s29 =	simm.s32 $0x9;
	_ =	strace $0x8000004B  }
0xb3: {  	_ =	swait.ge [sflag:s29], $0x1  }
0xb4: {  	[sflag:s29] =	ssyncadd.s32 $0xFFFFFFFF  }
0xb5: {  	_ =	strace $0x9000004B  }
0xb6: {  	_ =	sfence  }
0xb7: {  	s30 =	sld [smem:$0x0];
	_ =	sdelay $0x2  }
0xb8: {  	s31 =	sshll.u32 s1, $0xD;
	s1 =	sshrl.u32 s1, $0x2  }
0xb9: {  	s3 =	sand.u32 $0x4000, s31;
	s1 =	sadd.s32 s1, s30  }
0xba: {  	s0 =	sor.u32 s3, s0;
	s1 =	sshll.u32 s1, $0x11  }
0xbb: {  	s0 =	sor.u32 s1, s0  }
0xbc: {  	s0 =	sadd.s32 $0x8F2B, s0  }
0xbd: {  	[sflag:s0] =	ssyncadd.remote.s32 $0x1  }
0xbe: {  	_ =	sfence.sel $0xFFFF  }
0xbf: {  	[dreg:$0x0] =	wrdreg $0xFFFFFFFF;
	(pc) =	sbr.abs _section_cstart, $3  }
0xc0: {  	[dreg:$0x1] =	wrdreg $0xFFFFFFFF  }
0xc1: {  	_ =	task.clear_ibuf [dreg:s6], $0x2FFFF;
	_ =	strace $0x9FFFFFFF  }
0xc2: {  	(tm) =	ssettm $0x7FFFFFFF  }
0xc3: {  	_ =	shalt  }
tec
execute0_lowered:
.L_overlay_start_1:
0x0: {  	(tag) =	ssettag $0x1  }
0x1: {  	s0 =	rddreg [dreg:$0x0]  }
0x2: {  	s2 =	rddreg [dreg:$0x1];
	s3 =	simm.s32 $0x0;
	s1 =	srdreg.scid  }
0x3: {  	s8 =	stileid.u32;
	s14 =	simm.s32 $0x2710;
	s15 =	simm.s32 $0x14820  }
0x4: {  	s16 =	simm.s32 $0x3;
	s17 =	simm.s32 $0x1;
	s18 =	simm.s32 $0x2  }
0x5: {  	s19 =	simm.s32 $0x3E8;
	s20 =	simm.s32 $0x4E20;
	s21 =	simm.s32 $0xCB20  }
0x6: {  	s22 =	simm.s32 $0x3E80;
	s23 =	simm.s32 $0x1F40;
	s24 =	simm.s32 $0x4268  }
0x7: {  	s25 =	simm.s32 $0x2328;
	s26 =	simm.s32 $0x4650;
	s28 =	simm.s32 $0x4A38  }
0x8: {  	s29 =	simm.s32 $0x0;
	s1 =	sand.u32 $0x1, s1;
	s7 =	smul.u32 $0x5000, s8  }
0x9: {  	s4 =	sshll.u32 s8, $0x1;
	[smem:$0x7FF] =	sst s3;
	s8 =	smul.u32 $0x14000, s8  }
0xa: {  	s5 =	sor.u32 s1, s4;
	s6 =	smul.u32 $0x50000, s1;
	_ =	strace $0x8000004A  }
0xb: {  	s4 =	sadd.s32 $0x16A00, s0;
	s1 =	ssub.s32 $0x2, s1;
	s5 =	smul.u32 $0x4E2, s5  }
0xc: {  	s31 =	sshrl.u32 s1, $0x1;
	s8 =	sshrl.u32 s8, $0x2;
	s6 =	sadd.s32 s7, s6  }
0xd: {  	s1 =	ssub.s32 s1, s31;
	s11 =	sadd.s32 s8, s2;
	s7 =	sadd.s32 s7, s2  }
0xe: {  	s9 =	sadd.s32 s5, s0;
	s30 =	sshrl.u32 s6, $0x3;
	s8 =	sadd.s32 $0x1000, s11  }
0xf: {  	s10 =	sadd.s32 $0x3000, s11;
	s13 =	smax.u32 s1, $0x1;
	s1 =	simm.s32 $0x1B58  }
0x10: {  	s0 =	sadd.s32 s30, s0;
	s5 =	sadd.s32 $0xCC00, s9;
	s6 =	sadd.s32 $0x2E00, s9  }
0x11: {  	v0 =	vimm.f32 $0.0e+00;
	s9 =	sadd.s32 $0x2000, s11;
	s11 =	sadd.s32 $0x4000, s11;
	s12 =	sadd.s32 $0x20A00, s0  }
.LBB2_1:
0x12: {  	[tilespmem:s3], [sflag:$0x1] =	stream.linear.gather [hbm4b:s5+s3], $0x2710, $0x38;
	[tilespmem:$0x1A820] =	vst v63  }
0x13: {  	s30 =	simm.s32 $0x80;
	s31 =	simm.s32 $0x0  }
0x14: {  	[tilespmem:s14], [sflag:$0x2] =	stream.linear.gather [hbm4b:s6+s3], $0x2710, $0x38;
	[tilespmem:$0x1A820] =	vst v63  }
.LBB2_2:
0x15: {  	p0 =	sne.s32 s30, $0x3F80;
	[tilespmem:s31+$0x14820] =	vst v0;
	s0 =	smov.u32 s30;
	s30 =	sadd.s32 $0x80, s30  }
.Ltmp0:
0x16: {  	[tilespmem:s31+$0x14830] =	vst v0;
	(pc) =	sbr.rel @p0 .LBB2_2-.Ltmp0, $2  }
0x17: {  	_ =	sdelay $0x2  }
0x18: {  	s31 =	sshra.s32 s0, $0x2  }
0x19: {  	[tilespmem:s31+$0x14820] =	vst v0  }
0x1a: {  	[tilespmem:s31+$0x14830] =	vst v0  }
0x1b: {  	[spmem:s7] =	stream.linear.scatter [tilespmem:s15], [sflag:$0x3], $0x1000, $0x38;
	[tilespmem:$0x1A820] =	vst v63  }
0x1c: {  	_ =	swait.ge [sflag:s16], $0x1000  }
0x1d: {  	[sflag:s16] =	ssyncset.done $0x0  }
0x1e: {  	[sflag:s16] =	ssyncadd.s32 $0xFFFFF000  }
0x1f: {  	[spmem:s8] =	stream.linear.scatter [tilespmem:s15], [sflag:$0x3], $0x1000, $0x38;
	[tilespmem:$0x1A820] =	vst v63  }
0x20: {  	_ =	swait.ge [sflag:s16], $0x1000  }
0x21: {  	[sflag:s16] =	ssyncset.done $0x0  }
0x22: {  	[sflag:s16] =	ssyncadd.s32 $0xFFFFF000  }
0x23: {  	[spmem:s9] =	stream.linear.scatter [tilespmem:s15], [sflag:$0x3], $0x1000, $0x38;
	[tilespmem:$0x1A820] =	vst v63  }
0x24: {  	_ =	swait.ge [sflag:s16], $0x1000  }
0x25: {  	[sflag:s16] =	ssyncset.done $0x0  }
0x26: {  	[sflag:s16] =	ssyncadd.s32 $0xFFFFF000  }
0x27: {  	[spmem:s10] =	stream.linear.scatter [tilespmem:s15], [sflag:$0x3], $0x1000, $0x38;
	[tilespmem:$0x1A820] =	vst v63  }
0x28: {  	_ =	swait.ge [sflag:s16], $0x1000  }
0x29: {  	[sflag:s16] =	ssyncset.done $0x0  }
0x2a: {  	[sflag:s16] =	ssyncadd.s32 $0xFFFFF000  }
0x2b: {  	[spmem:s11] =	stream.linear.scatter [tilespmem:s15], [sflag:$0x3], $0x1000, $0x38;
	[tilespmem:$0x1A820] =	vst v63  }
0x2c: {  	_ =	swait.ge [sflag:s16], $0x1000  }
0x2d: {  	[sflag:s16] =	ssyncset.done $0x0  }
0x2e: {  	[sflag:s16] =	ssyncadd.s32 $0xFFFFF000  }
0x2f: {  	_ =	swait.ge [sflag:s17], $0x2710  }
0x30: {  	[sflag:s17] =	ssyncset.done $0x0  }
0x31: {  	[sflag:s17] =	ssyncadd.s32 $0xFFFFD8F0  }
0x32: {  	_ =	swait.ge [sflag:s18], $0x2710  }
0x33: {  	[sflag:s18] =	ssyncset.done $0x0  }
0x34: {  	[sflag:s18] =	ssyncadd.s32 $0xFFFFD8F0  }
0x35: {  	[bflag:$0x0] =	sbarrier.arrive $0xFFFF  }
0x36: {  	[tilespmem:s20], [sflag:$0x1] =	stream.indirect.gather [hbm4b:s4+s19], $0x20, s3, s19, $0xb8;
	[tilespmem:$0x1A820] =	vst v63  }
0x37: {  	_ = 	snop  }
0x38: {  	[tilespmem:s21], [sflag:$0x2] =	stream.indirect.gather [hbm4b:s4+s19], $0x20, s19, s19, $0xb8;
	[tilespmem:$0x1A820] =	vst v63  }
0x39: {  	_ =	swait.ge [sflag:s17], $0x7D00  }
0x3a: {  	[sflag:s17] =	ssyncset.done $0x0  }
0x3b: {  	[sflag:s17] =	ssyncadd.s32 $0xFFFF8300  }
0x3c: {  	[spmem:s2] =	stream.indirect.scatter.add.f32 [tilespmem:s20], [sflag:$0x3], $0x20, s14, s19, $0xb8;
	[tilespmem:$0x1A820] =	vst v63  }
0x3d: {  	_ =	swait.ge [sflag:s16], $0x7D00  }
0x3e: {  	[sflag:s16] =	ssyncset.done $0x0  }
0x3f: {  	s0 =	simm.s32 $0x7D0;
	[sflag:s16] =	ssyncadd.s32 $0xFFFF8300  }
0x40: {  	[tilespmem:s20], [sflag:$0x1] =	stream.indirect.gather [hbm4b:s4+s19], $0x20, s0, s19, $0xb8;
	[tilespmem:$0x1A820] =	vst v63  }
0x41: {  	_ =	swait.ge [sflag:s18], $0x7D00  }
0x42: {  	[sflag:s18] =	ssyncset.done $0x0  }
0x43: {  	s30 =	simm.s32 $0x2AF8;
	[sflag:s18] =	ssyncadd.s32 $0xFFFF8300  }
0x44: {  	[spmem:s2] =	stream.indirect.scatter.add.f32 [tilespmem:s21], [sflag:$0x3], $0x20, s30, s19, $0xb8;
	[tilespmem:$0x1A820] =	vst v63  }
0x45: {  	_ =	swait.ge [sflag:s16], $0x7D00  }
0x46: {  	[sflag:s16] =	ssyncset.done $0x0  }
0x47: {  	s31 =	simm.s32 $0xBB8;
	[sflag:s16] =	ssyncadd.s32 $0xFFFF8300  }
0x48: {  	[tilespmem:s21], [sflag:$0x2] =	stream.indirect.gather [hbm4b:s4+s19], $0x20, s31, s19, $0xb8;
	[tilespmem:$0x1A820] =	vst v63  }
0x49: {  	_ =	swait.ge [sflag:s17], $0x7D00  }
0x4a: {  	[sflag:s17] =	ssyncset.done $0x0  }
0x4b: {  	s30 =	simm.s32 $0x2EE0;
	[sflag:s17] =	ssyncadd.s32 $0xFFFF8300  }
0x4c: {  	[spmem:s2] =	stream.indirect.scatter.add.f32 [tilespmem:s20], [sflag:$0x3], $0x20, s30, s19, $0xb8;
	[tilespmem:$0x1A820] =	vst v63  }
0x4d: {  	_ =	swait.ge [sflag:s16], $0x7D00  }
0x4e: {  	[sflag:s16] =	ssyncset.done $0x0  }
0x4f: {  	s31 =	simm.s32 $0xFA0;
	[sflag:s16] =	ssyncadd.s32 $0xFFFF8300  }
0x50: {  	[tilespmem:s20], [sflag:$0x1] =	stream.indirect.gather [hbm4b:s4+s19], $0x20, s31, s19, $0xb8;
	[tilespmem:$0x1A820] =	vst v63  }
0x51: {  	_ =	swait.ge [sflag:s18], $0x7D00  }
0x52: {  	[sflag:s18] =	ssyncset.done $0x0  }
0x53: {  	s30 =	simm.s32 $0x32C8;
	[sflag:s18] =	ssyncadd.s32 $0xFFFF8300  }
0x54: {  	[spmem:s2] =	stream.indirect.scatter.add.f32 [tilespmem:s21], [sflag:$0x3], $0x20, s30, s19, $0xb8;
	[tilespmem:$0x1A820] =	vst v63  }
0x55: {  	_ =	swait.ge [sflag:s16], $0x7D00  }
0x56: {  	[sflag:s16] =	ssyncset.done $0x0  }
0x57: {  	s31 =	simm.s32 $0x1388;
	[sflag:s16] =	ssyncadd.s32 $0xFFFF8300  }
0x58: {  	[tilespmem:s21], [sflag:$0x2] =	stream.indirect.gather [hbm4b:s4+s19], $0x20, s31, s19, $0xb8;
	[tilespmem:$0x1A820] =	vst v63  }
0x59: {  	_ =	swait.ge [sflag:s17], $0x7D00  }
0x5a: {  	[sflag:s17] =	ssyncset.done $0x0  }
0x5b: {  	s30 =	simm.s32 $0x36B0;
	[sflag:s17] =	ssyncadd.s32 $0xFFFF8300  }
0x5c: {  	[spmem:s2] =	stream.indirect.scatter.add.f32 [tilespmem:s20], [sflag:$0x3], $0x20, s30, s19, $0xb8;
	[tilespmem:$0x1A820] =	vst v63  }
0x5d: {  	_ =	swait.ge [sflag:s16], $0x7D00  }
0x5e: {  	[sflag:s16] =	ssyncset.done $0x0  }
0x5f: {  	s31 =	simm.s32 $0x1770;
	[sflag:s16] =	ssyncadd.s32 $0xFFFF8300  }
0x60: {  	[tilespmem:s20], [sflag:$0x1] =	stream.indirect.gather [hbm4b:s4+s19], $0x20, s31, s19, $0xb8;
	[tilespmem:$0x1A820] =	vst v63  }
0x61: {  	_ =	swait.ge [sflag:s18], $0x7D00  }
0x62: {  	[sflag:s18] =	ssyncset.done $0x0  }
0x63: {  	s30 =	simm.s32 $0x3A98;
	[sflag:s18] =	ssyncadd.s32 $0xFFFF8300  }
0x64: {  	[spmem:s2] =	stream.indirect.scatter.add.f32 [tilespmem:s21], [sflag:$0x3], $0x20, s30, s19, $0xb8;
	[tilespmem:$0x1A820] =	vst v63  }
0x65: {  	_ =	swait.ge [sflag:s16], $0x7D00  }
0x66: {  	[sflag:s16] =	ssyncset.done $0x0  }
0x67: {  	[sflag:s16] =	ssyncadd.s32 $0xFFFF8300  }
0x68: {  	[tilespmem:s21], [sflag:$0x2] =	stream.indirect.gather [hbm4b:s4+s19], $0x20, s1, s19, $0xb8;
	[tilespmem:$0x1A820] =	vst v63  }
0x69: {  	_ =	swait.ge [sflag:s17], $0x7D00  }
0x6a: {  	[sflag:s17] =	ssyncset.done $0x0  }
0x6b: {  	[sflag:s17] =	ssyncadd.s32 $0xFFFF8300  }
0x6c: {  	[spmem:s2] =	stream.indirect.scatter.add.f32 [tilespmem:s20], [sflag:$0x3], $0x20, s22, s19, $0xb8;
	[tilespmem:$0x1A820] =	vst v63  }
0x6d: {  	_ =	swait.ge [sflag:s16], $0x7D00  }
0x6e: {  	[sflag:s16] =	ssyncset.done $0x0  }
0x6f: {  	[sflag:s16] =	ssyncadd.s32 $0xFFFF8300  }
0x70: {  	[tilespmem:s20], [sflag:$0x1] =	stream.indirect.gather [hbm4b:s4+s19], $0x20, s23, s19, $0xb8;
	[tilespmem:$0x1A820] =	vst v63  }
0x71: {  	_ =	swait.ge [sflag:s18], $0x7D00  }
0x72: {  	[sflag:s18] =	ssyncset.done $0x0  }
0x73: {  	[sflag:s18] =	ssyncadd.s32 $0xFFFF8300  }
0x74: {  	[spmem:s2] =	stream.indirect.scatter.add.f32 [tilespmem:s21], [sflag:$0x3], $0x20, s24, s19, $0xb8;
	[tilespmem:$0x1A820] =	vst v63  }
0x75: {  	_ =	swait.ge [sflag:s16], $0x7D00  }
0x76: {  	[sflag:s16] =	ssyncset.done $0x0  }
0x77: {  	[sflag:s16] =	ssyncadd.s32 $0xFFFF8300  }
0x78: {  	[tilespmem:s21], [sflag:$0x2] =	stream.indirect.gather [hbm4b:s4+s19], $0x20, s25, s19, $0xb8;
	[tilespmem:$0x1A820] =	vst v63  }
0x79: {  	_ =	swait.ge [sflag:s17], $0x7D00  }
0x7a: {  	[sflag:s17] =	ssyncset.done $0x0  }
0x7b: {  	[sflag:s17] =	ssyncadd.s32 $0xFFFF8300  }
0x7c: {  	[spmem:s2] =	stream.indirect.scatter.add.f32 [tilespmem:s20], [sflag:$0x3], $0x20, s26, s19, $0xb8;
	[tilespmem:$0x1A820] =	vst v63  }
0x7d: {  	_ =	swait.ge [sflag:s16], $0x7D00  }
0x7e: {  	[sflag:s16] =	ssyncset.done $0x0  }
0x7f: {  	[sflag:s16] =	ssyncadd.s32 $0xFFFF8300  }
0x80: {  	_ =	swait.ge [sflag:s18], $0x7D00  }
0x81: {  	[sflag:s18] =	ssyncset.done $0x0  }
0x82: {  	[sflag:s18] =	ssyncadd.s32 $0xFFFF8300  }
0x83: {  	[spmem:s2] =	stream.indirect.scatter.add.f32 [tilespmem:s21], [sflag:$0x3], $0x20, s28, s19, $0xb8;
	[tilespmem:$0x1A820] =	vst v63  }
0x84: {  	s31 =	stileid.u32;
	_ =	swait.ge [sflag:s16], $0x7D00  }
0x85: {  	s29 =	sadd.s32 $0x1, s29;
	s0 =	sshll.u32 s31, $0x6;
	[sflag:s16] =	ssyncset.done $0x0  }
0x86: {  	p0 =	sne.s32 s29, s13;
	s0 =	sor.u32 $0x1C03, s0;
	[sflag:s16] =	ssyncadd.s32 $0xFFFF8300  }
.Ltmp1:
0x87: {  	s30 =	sshrl.u32 s7, $0x3;
	[bflag:$0x0] =	sbarrier.arrive $0xFFFF;
	(pc) =	sbr.rel @p0 .LBB2_1-.Ltmp1, $4  }
0x88: {  	[hbm:s12], [sflag:s0] =	dma.local [spmem:s30], $0xA00  }
0x89: {  	_ =	swait.ge [sflag:s16], $0xA00  }
0x8a: {  	[sflag:s16] =	ssyncset.done $0x0  }
0x8b: {  	[sflag:s16] =	ssyncadd.s32 $0xFFFFF600  }
0x8c: {  	_ =	sfence.sel $0x180000  }
0x8d: {  	[bflag:$0x0] =	sbarrier.arrive $0xFFFF  }
0x8e: {  	_ =	strace $0x9000004A  }
0x8f: {  	s0 =	stileid.u32;
	[bflag:$0x2] =	sbarrier.arrive $0xFFFF  }
0x90: {  	p0 =	sne.s32 s0, $0x0;
	s0 =	rddreg [dreg:$0x2]  }
0x91: {  	s0 =	sadd.s32 @!p0 $0x100000, s0  }
0x92: {  	[sflag:s0] =	ssyncadd.tile.s32 @!p0 $0x1;
	_ =	shalt  }
.Lfunc_end2:
_tile_overlayer_lowered:
.L_overlay_start_2:
0x93: {  	(tag) =	ssettag $0x2  }
0x94: {  	s0 =	rddreg [dreg:$0x0];
	s2 =	stileid.u32  }
0x95: {  	s1 =	rddreg [dreg:$0x1];
	p0 =	sne.s32 s2, $0x0  }
0x96: {  	s3 =	rddreg [dreg:$0x2];
	[bflag:$0x3] =	sbarrier.arrive $0xFFFF;
	s2 =	simm.s32 @!p0 $0x1C03  }
0x97: {  	[timem:s3], [sflag:s2] =	dma.local @!p0 [hbm:s0], s1  }
0x98: {  	s0 =	simm.s32 @!p0 $0x3  }
0x99: {  	_ =	swait.ge @!p0 [sflag:s0], s1  }
0x9a: {  	s1 =	ssub.s32 @!p0 $0x0, s1;
	[sflag:s0] =	ssyncset.done @!p0 $0x0  }
0x9b: {  	[sflag:s0] =	ssyncadd.s32 @!p0 s1  }
0x9c: {  	[bflag:$0x3] =	sbarrier.arrive $0xFFFF  }
0x9d: {  	_ =	shalt  }

// kernel: kernel.7.cloned.1.call-start
scs
__scs_entry_jumppad:
0x0: {  	(pc) =	sbr.rel $0x88, $3  }
0x1: {  	(tag) =	ssettag $0x0;
	lr =	simm.s32 $0x1  }
0x2: {  	[smem:$0x3F8F] =	sst lr;
	_ =	strace $0xD0000000  }
0x3: {  	_ = 	snop  }
0x4: {  	_ = 	snop  }
0x5: {  	_ = 	snop  }
0x6: {  	_ = 	snop  }
0x7: {  	_ = 	snop  }
__scs_overlays_trampoline_lowered:
0x8: {  	[smem:$0x3F9E] =	sst s0  }
0x9: {  	[smem:$0x3F9F] =	sst s1  }
0xa: {  	[smem:$0x3FA0] =	sst s2  }
0xb: {  	[smem:$0x3FA1] =	sst s3  }
0xc: {  	[smem:$0x3FA2] =	sst s4  }
0xd: {  	[smem:$0x3FA3] =	sst s5  }
0xe: {  	[smem:$0x3FA4] =	sst s6  }
0xf: {  	[smem:$0x3FA5] =	sst s7  }
0x10: {  	[smem:$0x3FA6] =	sst s8  }
0x11: {  	[smem:$0x3FA7] =	sst s9;
	s0 =	simm.s32 @!p0 $0x0  }
0x12: {  	s1 =	sld [smem:$0x3F8D];
	s0 =	simm.s32 @p0 $0x1  }
0x13: {  	[smem:$0x3FA8] =	sst s0;
	s0 =	simm.s32 @!p1 $0x0  }
0x14: {  	s2 =	sld [smem:$0x3F8C];
	s0 =	simm.s32 @p1 $0x1  }
0x15: {  	[smem:$0x3FA9] =	sst s0;
	s0 =	simm.s32 @!p2 $0x0  }
0x16: {  	s3 =	sld [smem:$0x3FDB];
	s0 =	simm.s32 @p2 $0x1  }
0x17: {  	s4 =	simm.s32 $0x1BF5;
	[smem:$0x3FAB] =	sst s0  }
0x18: {  	s0 =	sld [smem:$0x3F8E];
	_ =	swait.ge [sflag:s4], $0x0  }
0x19: {  	s7 =	sld [smem:$0x3F8F]  }
0x1a: {  	s8 =	sadd.s32 $0xFFFFE003, lr  }
0x1b: {  	s9 =	sadd.s32 $0xFFFFFEF7, lr;
	s5 =	simm.s32 $0xFFFFFFFF;
	p2 =	slt.u32 s8, $0xFFFFF086  }
0x1c: {  	p1 =	slt.u32 s9, $0xF7A;
	s5 =	simm.s32 @!p2 $0x0  }
0x1d: {  	s5 =	simm.s32 @p1 $0x1;
	p0 =	seq.s32 s7, s2  }
0x1e: {  	s7 =	smul.u32 @!p0 $0xF7A, s2;
	p2 =	seq.s32 @!p0 s5, $0x0  }
0x1f: {  	s9 =	smul.u32 $0xF7A, s1;
	s8 =	simm.s32 @!p0 $0x1BF5;
	p2 =	por !p2, p0  }
0x20: {  	[sflag:s8] =	ssyncset.s32 @!p0 $0xFFFFF086;
	s6 =	sadd.s32 @!p0 s3, s7;
	s7 =	simm.s32 @!p0 $0x108  }
0x21: {  	s3 =	sadd.s32 s3, s9;
	s6 =	sadd.s32 @!p0 $0x88, s6;
	s7 =	simm.s32 @p2 $0x1082  }
0x22: {  	[simem:s7], [sflag:s8] =	dma.local @!p0 [hbm:s6], $0xF7A  }
0x23: {  	s9 =	sor.u32 $0xD0000000, s2;
	s6 =	simm.s32 $0x108;
	_ =	swait.ge @!p0 [sflag:s8], $0x0  }
0x24: {  	s3 =	sadd.s32 $0x88, s3;
	s6 =	simm.s32 @!p1 $0x1082;
	[sflag:s4] =	ssyncset.s32 $0xFFFFF086  }
0x25: {  	[simem:s6], [sflag:s4] =	dma.local [hbm:s3], $0xF7A  }
0x26: {  	[smem:$0x3F8F] =	sst s1;
	(tag) =	ssettag s2;
	_ =	strace s9  }
0x27: {  	s1 =	sld [smem:$0x3F9F]  }
0x28: {  	s2 =	sld [smem:$0x3FA0]  }
0x29: {  	s4 =	sld [smem:$0x3FA2]  }
0x2a: {  	p0 =	seq.s32 s5, $0x0;
	s5 =	sld [smem:$0x3FA3]  }
0x2b: {  	s6 =	sld [smem:$0x3FA4]  }
0x2c: {  	s7 =	sld [smem:$0x3FA5]  }
0x2d: {  	s3 =	simm.s32 $0x108;
	s8 =	sld [smem:$0x3FA6]  }
0x2e: {  	s3 =	simm.s32 @!p0 $0x1082;
	s9 =	sld [smem:$0x3FA7]  }
0x2f: {  	lr =	sadd.s32 s0, s3;
	s0 =	sld [smem:$0x3F9E]  }
0x30: {  	s3 =	sld [smem:$0x3FA1]  }
0x31: {  	[smem:$0x3FAA] =	sst s10  }
0x32: {  	s10 =	sld [smem:$0x3FA8];
	_ =	sdelay $0x3  }
0x33: {  	p0 =	seq.s32 s10, $0x1;
	s10 =	sld [smem:$0x3FAA];
	_ =	sdelay $0x3  }
0x34: {  	[smem:$0x3FAA] =	sst s10  }
0x35: {  	s10 =	sld [smem:$0x3FA9];
	_ =	sdelay $0x3  }
0x36: {  	p1 =	seq.s32 s10, $0x1;
	s10 =	sld [smem:$0x3FAA];
	_ =	sdelay $0x3  }
0x37: {  	[smem:$0x3FAA] =	sst s10  }
0x38: {  	s10 =	sld [smem:$0x3FAB]  }
0x39: {  	_ = 	snop;
	(pc) =	sbr.ind lr, $3  }
0x3a: {  	_ = 	snop  }
0x3b: {  	_ = 	snop  }
0x3c: {  	p2 =	seq.s32 s10, $0x1;
	s10 =	sld [smem:$0x3FAA]  }
0x3d: {  	_ =	shalt  }
0x3e: {  	_ =	shalt  }
0x3f: {  	_ =	shalt  }
0x40: {  	_ =	shalt  }
0x41: {  	_ =	shalt  }
0x42: {  	_ =	shalt  }
0x43: {  	_ =	shalt  }
0x44: {  	_ =	shalt  }
0x45: {  	_ =	shalt  }
0x46: {  	_ =	shalt  }
0x47: {  	_ =	shalt  }
0x48: {  	_ =	shalt  }
0x49: {  	_ =	shalt  }
0x4a: {  	_ =	shalt  }
0x4b: {  	_ =	shalt  }
0x4c: {  	_ =	shalt  }
0x4d: {  	_ =	shalt  }
0x4e: {  	_ =	shalt  }
0x4f: {  	_ =	shalt  }
0x50: {  	_ =	shalt  }
0x51: {  	_ =	shalt  }
0x52: {  	_ =	shalt  }
0x53: {  	_ =	shalt  }
0x54: {  	_ =	shalt  }
0x55: {  	_ =	shalt  }
0x56: {  	_ =	shalt  }
0x57: {  	_ =	shalt  }
0x58: {  	_ =	shalt  }
0x59: {  	_ =	shalt  }
0x5a: {  	_ =	shalt  }
0x5b: {  	_ =	shalt  }
0x5c: {  	_ =	shalt  }
0x5d: {  	_ =	shalt  }
0x5e: {  	_ =	shalt  }
0x5f: {  	_ =	shalt  }
0x60: {  	_ =	shalt  }
0x61: {  	_ =	shalt  }
0x62: {  	_ =	shalt  }
0x63: {  	_ =	shalt  }
0x64: {  	_ =	shalt  }
0x65: {  	_ =	shalt  }
0x66: {  	_ =	shalt  }
0x67: {  	_ =	shalt  }
0x68: {  	_ =	shalt  }
0x69: {  	_ =	shalt  }
0x6a: {  	_ =	shalt  }
0x6b: {  	_ =	shalt  }
0x6c: {  	_ =	shalt  }
0x6d: {  	_ =	shalt  }
0x6e: {  	_ =	shalt  }
0x6f: {  	_ =	shalt  }
0x70: {  	_ =	shalt  }
0x71: {  	_ =	shalt  }
0x72: {  	_ =	shalt  }
0x73: {  	_ =	shalt  }
0x74: {  	_ =	shalt  }
0x75: {  	_ =	shalt  }
0x76: {  	_ =	shalt  }
0x77: {  	_ =	shalt  }
0x78: {  	_ =	shalt  }
0x79: {  	_ =	shalt  }
0x7a: {  	_ =	shalt  }
0x7b: {  	_ =	shalt  }
0x7c: {  	_ =	shalt  }
0x7d: {  	_ =	shalt  }
0x7e: {  	_ =	shalt  }
0x7f: {  	_ =	shalt  }
0x80: {  	_ =	shalt  }
0x81: {  	_ =	shalt  }
0x82: {  	_ =	shalt  }
0x83: {  	_ =	shalt  }
0x84: {  	_ =	shalt  }
0x85: {  	_ =	shalt  }
0x86: {  	_ =	shalt  }
0x87: {  	_ =	shalt  }
.Lfunc_end0:
.L_simem_size_0:
called_computation_lowered:
.L_overlay_start_0:
0x88: {  	s2 =	sld [smem:$0x3FD9]  }
0x89: {  	s3 =	sld [smem:$0x3FFE];
	_ =	sdelay $0x1  }
0x8a: {  	s1 =	srdreg.scid  }
0x8b: {  	s0 =	sand.u32 $0x1, s1  }
0x8c: {  	s16 =	sshll.u32 s0, $0xA;
	s2 =	sadd.s32 s3, s2  }
0x8d: {  	s2 =	sadd.s32 s2, s16  }
0x8e: {  	[smem:$0x3FB6] =	sst s2  }
0x8f: {  	_ = 	snop  }
0x90: {  	(tm) =	ssettm $0x1  }
0x91: {  	s17 =	sld [smem:$0x3FFB];
	_ =	sdelay $0x3  }
0x92: {  	_ =	strace s17  }
0x93: {  	s2 =	sld [smem:$0x3FFC];
	_ =	sdelay $0x3  }
0x94: {  	_ =	strace s2  }
0x95: {  	s2 =	sld [smem:$0x3FFD];
	_ =	sdelay $0x3  }
0x96: {  	_ =	strace s2  }
0x97: {  	_ =	strace $0x8FFFFFFF  }
0x98: {  	s18 =	sld [smem:$0x3FDB];
	_ =	sdelay $0x1  }
0x99: {  	s19 =	simm.s32 $_scs_section_size  }
0x9a: {  	s4 =	simm.s32 $_size__tile_overlayer_lowered;
	s5 =	simm.s32 $_tile_overlayer_lowered  }
0x9b: {  	s22 =	simm.s32 $0x1BFF;
	s21 =	sshll.u32 s5, $0x1;
	s2 =	sadd.s32 s19, s18  }
0x9c: {  	s6 =	simm.s32 $0x0;
	s20 =	sshll.u32 s4, $0x1;
	s4 =	sadd.s32 s21, s2  }
0x9d: {  	[timem:s6], [sflag:s22] =	dma.local [hbm:s4], s20  }
0x9e: {  	_ =	swait.ge [sflag:s22], s20  }
0x9f: {  	s3 =	ssub.s32 $0x0, s20;
	[sflag:s22] =	ssyncset.done $0x0  }
0xa0: {  	[sflag:s22] =	ssyncadd.s32 s3;
	_ =	sdelay $0x1  }
0xa1: {  	s23 =	simm.s32 $0x1B8B  }
0xa2: {  	_ =	swait.ge [sflag:s23], $0x1  }
0xa3: {  	[sflag:s23] =	ssyncset.done $0x0  }
0xa4: {  	s25 =	simm.s32 $0x1B8E;
	s24 =	sld [smem:$0x3FFE];
	[sflag:s23] =	ssyncadd.s32 $0xFFFFFFFF  }
0xa5: {  	s26 =	simm.s32 $execute0_lowered;
	[smem:$0x3FD2] =	sst s25  }
0xa6: {  	s4 =	sshll.u32 s26, $0x1;
	_ =	strace $0x80000046;
	[dreg:$0x1] =	wrdreg $0xFFFFFFFF  }
0xa7: {  	s28 =	simm.s32 $_size_execute0_lowered;
	s2 =	sadd.s32 s2, s4;
	[dreg:$0x0] =	wrdreg $0x0  }
0xa8: {  	s4 =	sshll.u32 s28, $0x1;
	[dreg:$0x2] =	wrdreg s2  }
0xa9: {  	[dreg:$0x3] =	wrdreg s4  }
0xaa: {  	[dreg:$0x4] =	wrdreg $0xC0  }
0xab: {  	_ =	task [dreg:s6], $0x5FFFF  }
0xac: {  	[dreg:$0x1] =	wrdreg $0xFFFFFFFF  }
0xad: {  	[dreg:$0x0] =	wrdreg $0x60  }
0xae: {  	[dreg:$0x2] =	wrdreg s24  }
0xaf: {  	[dreg:$0x3] =	wrdreg $0x158200  }
0xb0: {  	[dreg:$0x4] =	wrdreg $0x9  }
0xb1: {  	_ =	task.clear_ibuf [dreg:s6], $0x5FFFF;
	_ =	strace $0x90000046  }
0xb2: {  	s29 =	simm.s32 $0x9;
	_ =	strace $0x80000048  }
0xb3: {  	_ =	swait.ge [sflag:s29], $0x1  }
0xb4: {  	[sflag:s29] =	ssyncadd.s32 $0xFFFFFFFF  }
0xb5: {  	_ =	strace $0x90000048  }
0xb6: {  	_ =	sfence  }
0xb7: {  	s30 =	sld [smem:$0x0];
	_ =	sdelay $0x2  }
0xb8: {  	s31 =	sshll.u32 s1, $0xD;
	s1 =	sshrl.u32 s1, $0x2  }
0xb9: {  	s3 =	sand.u32 $0x4000, s31;
	s1 =	sadd.s32 s1, s30  }
0xba: {  	s0 =	sor.u32 s3, s0;
	s1 =	sshll.u32 s1, $0x11  }
0xbb: {  	s0 =	sor.u32 s1, s0  }
0xbc: {  	s0 =	sadd.s32 $0x8F2B, s0  }
0xbd: {  	[sflag:s0] =	ssyncadd.remote.s32 $0x1  }
0xbe: {  	_ =	sfence.sel $0xFFFF  }
0xbf: {  	[dreg:$0x0] =	wrdreg $0xFFFFFFFF;
	(pc) =	sbr.abs _section_cstart, $3  }
0xc0: {  	[dreg:$0x1] =	wrdreg $0xFFFFFFFF  }
0xc1: {  	_ =	task.clear_ibuf [dreg:s6], $0x2FFFF;
	_ =	strace $0x9FFFFFFF  }
0xc2: {  	(tm) =	ssettm $0x7FFFFFFF  }
0xc3: {  	_ =	shalt  }
tec
execute0_lowered:
.L_overlay_start_1:
0x0: {  	(tag) =	ssettag $0x1  }
0x1: {  	s0 =	rddreg [dreg:$0x0]  }
0x2: {  	s2 =	rddreg [dreg:$0x1];
	s3 =	simm.s32 $0x0;
	s1 =	srdreg.scid  }
0x3: {  	s8 =	stileid.u32;
	s14 =	simm.s32 $0x2710;
	s15 =	simm.s32 $0x14820  }
0x4: {  	s16 =	simm.s32 $0x3;
	s17 =	simm.s32 $0x1;
	s18 =	simm.s32 $0x2  }
0x5: {  	s19 =	simm.s32 $0x3E8;
	s20 =	simm.s32 $0x4E20;
	s21 =	simm.s32 $0xCB20  }
0x6: {  	s22 =	simm.s32 $0x3E80;
	s23 =	simm.s32 $0x1F40;
	s24 =	simm.s32 $0x4268  }
0x7: {  	s25 =	simm.s32 $0x2328;
	s26 =	simm.s32 $0x4650;
	s28 =	simm.s32 $0x4A38  }
0x8: {  	s29 =	simm.s32 $0x0;
	s1 =	sand.u32 $0x1, s1;
	s7 =	smul.u32 $0x5000, s8  }
0x9: {  	s4 =	sshll.u32 s8, $0x1;
	[smem:$0x7FF] =	sst s3;
	s8 =	smul.u32 $0x14000, s8  }
0xa: {  	s5 =	sor.u32 s1, s4;
	s6 =	smul.u32 $0x50000, s1;
	_ =	strace $0x80000047  }
0xb: {  	s4 =	sadd.s32 $0x16A00, s0;
	s1 =	ssub.s32 $0x2, s1;
	s5 =	smul.u32 $0x4E2, s5  }
0xc: {  	s31 =	sshrl.u32 s1, $0x1;
	s8 =	sshrl.u32 s8, $0x2;
	s6 =	sadd.s32 s7, s6  }
0xd: {  	s1 =	ssub.s32 s1, s31;
	s11 =	sadd.s32 s8, s2;
	s7 =	sadd.s32 s7, s2  }
0xe: {  	s9 =	sadd.s32 s5, s0;
	s30 =	sshrl.u32 s6, $0x3;
	s8 =	sadd.s32 $0x1000, s11  }
0xf: {  	s10 =	sadd.s32 $0x3000, s11;
	s13 =	smax.u32 s1, $0x1;
	s1 =	simm.s32 $0x1B58  }
0x10: {  	s0 =	sadd.s32 s30, s0;
	s5 =	sadd.s32 $0xCC00, s9;
	s6 =	sadd.s32 $0x2E00, s9  }
0x11: {  	v0 =	vimm.f32 $0.0e+00;
	s9 =	sadd.s32 $0x2000, s11;
	s11 =	sadd.s32 $0x4000, s11;
	s12 =	sadd.s32 $0x20A00, s0  }
.LBB2_1:
0x12: {  	[tilespmem:s3], [sflag:$0x1] =	stream.linear.gather [hbm4b:s5+s3], $0x2710, $0x38;
	[tilespmem:$0x1A820] =	vst v63  }
0x13: {  	s30 =	simm.s32 $0x80;
	s31 =	simm.s32 $0x0  }
0x14: {  	[tilespmem:s14], [sflag:$0x2] =	stream.linear.gather [hbm4b:s6+s3], $0x2710, $0x38;
	[tilespmem:$0x1A820] =	vst v63  }
.LBB2_2:
0x15: {  	p0 =	sne.s32 s30, $0x3F80;
	[tilespmem:s31+$0x14820] =	vst v0;
	s0 =	smov.u32 s30;
	s30 =	sadd.s32 $0x80, s30  }
.Ltmp0:
0x16: {  	[tilespmem:s31+$0x14830] =	vst v0;
	(pc) =	sbr.rel @p0 .LBB2_2-.Ltmp0, $2  }
0x17: {  	_ =	sdelay $0x2  }
0x18: {  	s31 =	sshra.s32 s0, $0x2  }
0x19: {  	[tilespmem:s31+$0x14820] =	vst v0  }
0x1a: {  	[tilespmem:s31+$0x14830] =	vst v0  }
0x1b: {  	[spmem:s7] =	stream.linear.scatter [tilespmem:s15], [sflag:$0x3], $0x1000, $0x38;
	[tilespmem:$0x1A820] =	vst v63  }
0x1c: {  	_ =	swait.ge [sflag:s16], $0x1000  }
0x1d: {  	[sflag:s16] =	ssyncset.done $0x0  }
0x1e: {  	[sflag:s16] =	ssyncadd.s32 $0xFFFFF000  }
0x1f: {  	[spmem:s8] =	stream.linear.scatter [tilespmem:s15], [sflag:$0x3], $0x1000, $0x38;
	[tilespmem:$0x1A820] =	vst v63  }
0x20: {  	_ =	swait.ge [sflag:s16], $0x1000  }
0x21: {  	[sflag:s16] =	ssyncset.done $0x0  }
0x22: {  	[sflag:s16] =	ssyncadd.s32 $0xFFFFF000  }
0x23: {  	[spmem:s9] =	stream.linear.scatter [tilespmem:s15], [sflag:$0x3], $0x1000, $0x38;
	[tilespmem:$0x1A820] =	vst v63  }
0x24: {  	_ =	swait.ge [sflag:s16], $0x1000  }
0x25: {  	[sflag:s16] =	ssyncset.done $0x0  }
0x26: {  	[sflag:s16] =	ssyncadd.s32 $0xFFFFF000  }
0x27: {  	[spmem:s10] =	stream.linear.scatter [tilespmem:s15], [sflag:$0x3], $0x1000, $0x38;
	[tilespmem:$0x1A820] =	vst v63  }
0x28: {  	_ =	swait.ge [sflag:s16], $0x1000  }
0x29: {  	[sflag:s16] =	ssyncset.done $0x0  }
0x2a: {  	[sflag:s16] =	ssyncadd.s32 $0xFFFFF000  }
0x2b: {  	[spmem:s11] =	stream.linear.scatter [tilespmem:s15], [sflag:$0x3], $0x1000, $0x38;
	[tilespmem:$0x1A820] =	vst v63  }
0x2c: {  	_ =	swait.ge [sflag:s16], $0x1000  }
0x2d: {  	[sflag:s16] =	ssyncset.done $0x0  }
0x2e: {  	[sflag:s16] =	ssyncadd.s32 $0xFFFFF000  }
0x2f: {  	_ =	swait.ge [sflag:s17], $0x2710  }
0x30: {  	[sflag:s17] =	ssyncset.done $0x0  }
0x31: {  	[sflag:s17] =	ssyncadd.s32 $0xFFFFD8F0  }
0x32: {  	_ =	swait.ge [sflag:s18], $0x2710  }
0x33: {  	[sflag:s18] =	ssyncset.done $0x0  }
0x34: {  	[sflag:s18] =	ssyncadd.s32 $0xFFFFD8F0  }
0x35: {  	[bflag:$0x0] =	sbarrier.arrive $0xFFFF  }
0x36: {  	[tilespmem:s20], [sflag:$0x1] =	stream.indirect.gather [hbm4b:s4+s19], $0x20, s3, s19, $0xb8;
	[tilespmem:$0x1A820] =	vst v63  }
0x37: {  	_ = 	snop  }
0x38: {  	[tilespmem:s21], [sflag:$0x2] =	stream.indirect.gather [hbm4b:s4+s19], $0x20, s19, s19, $0xb8;
	[tilespmem:$0x1A820] =	vst v63  }
0x39: {  	_ =	swait.ge [sflag:s17], $0x7D00  }
0x3a: {  	[sflag:s17] =	ssyncset.done $0x0  }
0x3b: {  	[sflag:s17] =	ssyncadd.s32 $0xFFFF8300  }
0x3c: {  	[spmem:s2] =	stream.indirect.scatter.add.f32 [tilespmem:s20], [sflag:$0x3], $0x20, s14, s19, $0xb8;
	[tilespmem:$0x1A820] =	vst v63  }
0x3d: {  	_ =	swait.ge [sflag:s16], $0x7D00  }
0x3e: {  	[sflag:s16] =	ssyncset.done $0x0  }
0x3f: {  	s0 =	simm.s32 $0x7D0;
	[sflag:s16] =	ssyncadd.s32 $0xFFFF8300  }
0x40: {  	[tilespmem:s20], [sflag:$0x1] =	stream.indirect.gather [hbm4b:s4+s19], $0x20, s0, s19, $0xb8;
	[tilespmem:$0x1A820] =	vst v63  }
0x41: {  	_ =	swait.ge [sflag:s18], $0x7D00  }
0x42: {  	[sflag:s18] =	ssyncset.done $0x0  }
0x43: {  	s30 =	simm.s32 $0x2AF8;
	[sflag:s18] =	ssyncadd.s32 $0xFFFF8300  }
0x44: {  	[spmem:s2] =	stream.indirect.scatter.add.f32 [tilespmem:s21], [sflag:$0x3], $0x20, s30, s19, $0xb8;
	[tilespmem:$0x1A820] =	vst v63  }
0x45: {  	_ =	swait.ge [sflag:s16], $0x7D00  }
0x46: {  	[sflag:s16] =	ssyncset.done $0x0  }
0x47: {  	s31 =	simm.s32 $0xBB8;
	[sflag:s16] =	ssyncadd.s32 $0xFFFF8300  }
0x48: {  	[tilespmem:s21], [sflag:$0x2] =	stream.indirect.gather [hbm4b:s4+s19], $0x20, s31, s19, $0xb8;
	[tilespmem:$0x1A820] =	vst v63  }
0x49: {  	_ =	swait.ge [sflag:s17], $0x7D00  }
0x4a: {  	[sflag:s17] =	ssyncset.done $0x0  }
0x4b: {  	s30 =	simm.s32 $0x2EE0;
	[sflag:s17] =	ssyncadd.s32 $0xFFFF8300  }
0x4c: {  	[spmem:s2] =	stream.indirect.scatter.add.f32 [tilespmem:s20], [sflag:$0x3], $0x20, s30, s19, $0xb8;
	[tilespmem:$0x1A820] =	vst v63  }
0x4d: {  	_ =	swait.ge [sflag:s16], $0x7D00  }
0x4e: {  	[sflag:s16] =	ssyncset.done $0x0  }
0x4f: {  	s31 =	simm.s32 $0xFA0;
	[sflag:s16] =	ssyncadd.s32 $0xFFFF8300  }
0x50: {  	[tilespmem:s20], [sflag:$0x1] =	stream.indirect.gather [hbm4b:s4+s19], $0x20, s31, s19, $0xb8;
	[tilespmem:$0x1A820] =	vst v63  }
0x51: {  	_ =	swait.ge [sflag:s18], $0x7D00  }
0x52: {  	[sflag:s18] =	ssyncset.done $0x0  }
0x53: {  	s30 =	simm.s32 $0x32C8;
	[sflag:s18] =	ssyncadd.s32 $0xFFFF8300  }
0x54: {  	[spmem:s2] =	stream.indirect.scatter.add.f32 [tilespmem:s21], [sflag:$0x3], $0x20, s30, s19, $0xb8;
	[tilespmem:$0x1A820] =	vst v63  }
0x55: {  	_ =	swait.ge [sflag:s16], $0x7D00  }
0x56: {  	[sflag:s16] =	ssyncset.done $0x0  }
0x57: {  	s31 =	simm.s32 $0x1388;
	[sflag:s16] =	ssyncadd.s32 $0xFFFF8300  }
0x58: {  	[tilespmem:s21], [sflag:$0x2] =	stream.indirect.gather [hbm4b:s4+s19], $0x20, s31, s19, $0xb8;
	[tilespmem:$0x1A820] =	vst v63  }
0x59: {  	_ =	swait.ge [sflag:s17], $0x7D00  }
0x5a: {  	[sflag:s17] =	ssyncset.done $0x0  }
0x5b: {  	s30 =	simm.s32 $0x36B0;
	[sflag:s17] =	ssyncadd.s32 $0xFFFF8300  }
0x5c: {  	[spmem:s2] =	stream.indirect.scatter.add.f32 [tilespmem:s20], [sflag:$0x3], $0x20, s30, s19, $0xb8;
	[tilespmem:$0x1A820] =	vst v63  }
0x5d: {  	_ =	swait.ge [sflag:s16], $0x7D00  }
0x5e: {  	[sflag:s16] =	ssyncset.done $0x0  }
0x5f: {  	s31 =	simm.s32 $0x1770;
	[sflag:s16] =	ssyncadd.s32 $0xFFFF8300  }
0x60: {  	[tilespmem:s20], [sflag:$0x1] =	stream.indirect.gather [hbm4b:s4+s19], $0x20, s31, s19, $0xb8;
	[tilespmem:$0x1A820] =	vst v63  }
0x61: {  	_ =	swait.ge [sflag:s18], $0x7D00  }
0x62: {  	[sflag:s18] =	ssyncset.done $0x0  }
0x63: {  	s30 =	simm.s32 $0x3A98;
	[sflag:s18] =	ssyncadd.s32 $0xFFFF8300  }
0x64: {  	[spmem:s2] =	stream.indirect.scatter.add.f32 [tilespmem:s21], [sflag:$0x3], $0x20, s30, s19, $0xb8;
	[tilespmem:$0x1A820] =	vst v63  }
0x65: {  	_ =	swait.ge [sflag:s16], $0x7D00  }
0x66: {  	[sflag:s16] =	ssyncset.done $0x0  }
0x67: {  	[sflag:s16] =	ssyncadd.s32 $0xFFFF8300  }
0x68: {  	[tilespmem:s21], [sflag:$0x2] =	stream.indirect.gather [hbm4b:s4+s19], $0x20, s1, s19, $0xb8;
	[tilespmem:$0x1A820] =	vst v63  }
0x69: {  	_ =	swait.ge [sflag:s17], $0x7D00  }
0x6a: {  	[sflag:s17] =	ssyncset.done $0x0  }
0x6b: {  	[sflag:s17] =	ssyncadd.s32 $0xFFFF8300  }
0x6c: {  	[spmem:s2] =	stream.indirect.scatter.add.f32 [tilespmem:s20], [sflag:$0x3], $0x20, s22, s19, $0xb8;
	[tilespmem:$0x1A820] =	vst v63  }
0x6d: {  	_ =	swait.ge [sflag:s16], $0x7D00  }
0x6e: {  	[sflag:s16] =	ssyncset.done $0x0  }
0x6f: {  	[sflag:s16] =	ssyncadd.s32 $0xFFFF8300  }
0x70: {  	[tilespmem:s20], [sflag:$0x1] =	stream.indirect.gather [hbm4b:s4+s19], $0x20, s23, s19, $0xb8;
	[tilespmem:$0x1A820] =	vst v63  }
0x71: {  	_ =	swait.ge [sflag:s18], $0x7D00  }
0x72: {  	[sflag:s18] =	ssyncset.done $0x0  }
0x73: {  	[sflag:s18] =	ssyncadd.s32 $0xFFFF8300  }
0x74: {  	[spmem:s2] =	stream.indirect.scatter.add.f32 [tilespmem:s21], [sflag:$0x3], $0x20, s24, s19, $0xb8;
	[tilespmem:$0x1A820] =	vst v63  }
0x75: {  	_ =	swait.ge [sflag:s16], $0x7D00  }
0x76: {  	[sflag:s16] =	ssyncset.done $0x0  }
0x77: {  	[sflag:s16] =	ssyncadd.s32 $0xFFFF8300  }
0x78: {  	[tilespmem:s21], [sflag:$0x2] =	stream.indirect.gather [hbm4b:s4+s19], $0x20, s25, s19, $0xb8;
	[tilespmem:$0x1A820] =	vst v63  }
0x79: {  	_ =	swait.ge [sflag:s17], $0x7D00  }
0x7a: {  	[sflag:s17] =	ssyncset.done $0x0  }
0x7b: {  	[sflag:s17] =	ssyncadd.s32 $0xFFFF8300  }
0x7c: {  	[spmem:s2] =	stream.indirect.scatter.add.f32 [tilespmem:s20], [sflag:$0x3], $0x20, s26, s19, $0xb8;
	[tilespmem:$0x1A820] =	vst v63  }
0x7d: {  	_ =	swait.ge [sflag:s16], $0x7D00  }
0x7e: {  	[sflag:s16] =	ssyncset.done $0x0  }
0x7f: {  	[sflag:s16] =	ssyncadd.s32 $0xFFFF8300  }
0x80: {  	_ =	swait.ge [sflag:s18], $0x7D00  }
0x81: {  	[sflag:s18] =	ssyncset.done $0x0  }
0x82: {  	[sflag:s18] =	ssyncadd.s32 $0xFFFF8300  }
0x83: {  	[spmem:s2] =	stream.indirect.scatter.add.f32 [tilespmem:s21], [sflag:$0x3], $0x20, s28, s19, $0xb8;
	[tilespmem:$0x1A820] =	vst v63  }
0x84: {  	s31 =	stileid.u32;
	_ =	swait.ge [sflag:s16], $0x7D00  }
0x85: {  	s29 =	sadd.s32 $0x1, s29;
	s0 =	sshll.u32 s31, $0x6;
	[sflag:s16] =	ssyncset.done $0x0  }
0x86: {  	p0 =	sne.s32 s29, s13;
	s0 =	sor.u32 $0x1C03, s0;
	[sflag:s16] =	ssyncadd.s32 $0xFFFF8300  }
.Ltmp1:
0x87: {  	s30 =	sshrl.u32 s7, $0x3;
	[bflag:$0x0] =	sbarrier.arrive $0xFFFF;
	(pc) =	sbr.rel @p0 .LBB2_1-.Ltmp1, $4  }
0x88: {  	[hbm:s12], [sflag:s0] =	dma.local [spmem:s30], $0xA00  }
0x89: {  	_ =	swait.ge [sflag:s16], $0xA00  }
0x8a: {  	[sflag:s16] =	ssyncset.done $0x0  }
0x8b: {  	[sflag:s16] =	ssyncadd.s32 $0xFFFFF600  }
0x8c: {  	_ =	sfence.sel $0x180000  }
0x8d: {  	[bflag:$0x0] =	sbarrier.arrive $0xFFFF  }
0x8e: {  	_ =	strace $0x90000047  }
0x8f: {  	s0 =	stileid.u32;
	[bflag:$0x2] =	sbarrier.arrive $0xFFFF  }
0x90: {  	p0 =	sne.s32 s0, $0x0;
	s0 =	rddreg [dreg:$0x2]  }
0x91: {  	s0 =	sadd.s32 @!p0 $0x100000, s0  }
0x92: {  	[sflag:s0] =	ssyncadd.tile.s32 @!p0 $0x1;
	_ =	shalt  }
.Lfunc_end2:
_tile_overlayer_lowered:
.L_overlay_start_2:
0x93: {  	(tag) =	ssettag $0x2  }
0x94: {  	s0 =	rddreg [dreg:$0x0];
	s2 =	stileid.u32  }
0x95: {  	s1 =	rddreg [dreg:$0x1];
	p0 =	sne.s32 s2, $0x0  }
0x96: {  	s3 =	rddreg [dreg:$0x2];
	[bflag:$0x3] =	sbarrier.arrive $0xFFFF;
	s2 =	simm.s32 @!p0 $0x1C03  }
0x97: {  	[timem:s3], [sflag:s2] =	dma.local @!p0 [hbm:s0], s1  }
0x98: {  	s0 =	simm.s32 @!p0 $0x3  }
0x99: {  	_ =	swait.ge @!p0 [sflag:s0], s1  }
0x9a: {  	s1 =	ssub.s32 @!p0 $0x0, s1;
	[sflag:s0] =	ssyncset.done @!p0 $0x0  }
0x9b: {  	[sflag:s0] =	ssyncadd.s32 @!p0 s1  }
0x9c: {  	[bflag:$0x3] =	sbarrier.arrive $0xFFFF  }
0x9d: {  	_ =	shalt  }

</sc_bundles>
